<compile_context>
chip_gen: v7x
topology: tpu7x:2x2x1
jax: 0.10.2.dev20260603
libtpu: 0.0.44.dev20260713+nightly
codegen_flags: <defaults>
</compile_context>

<pallas_src>
import functools

import jax
import jax.numpy as jnp
from jax import lax
from jax.experimental import pallas as pl
from jax.experimental.pallas import tpu as pltpu
from jax.experimental.pallas import tpu_sc as plsc

N = 10000
E = 320000
D = 128
H = 64
O = 128

NC = 2
NS = 16
NW = NC * NS
CHUNK = 125
NGRP = 2
GCHUNK = 40
ZB = 80
NP = 10240
ROWS_PER_TILE = NP // NS


def _make_sc_scatter():
    mesh = plsc.VectorSubcoreMesh(core_axis_name="c", subcore_axis_name="s",
                                  num_cores=NC, num_subcores=NS)

    @functools.partial(
        pl.kernel,
        out_type=jax.ShapeDtypeStruct((NC, NP, D), jnp.float32),
        mesh=mesh,
        scratch_types=[
            pltpu.VMEM((GCHUNK, CHUNK), jnp.int32),
            pltpu.VMEM((GCHUNK, CHUNK), jnp.int32),
            pltpu.VMEM((CHUNK, D), jnp.float32),
            pltpu.VMEM((CHUNK, D), jnp.float32),
            pltpu.VMEM_SHARED((NP, D), jnp.float32),
            pltpu.SemaphoreType.DMA,
            pltpu.SemaphoreType.DMA,
        ],
    )
    def sc_scatter(x_hbm, src_hbm, dst_hbm, out_hbm,
                   src_v, dst_v, rows0, rows1, ax_sp, sem0, sem1):
        c = lax.axis_index("c")
        s = lax.axis_index("s")
        w = s * NC + c

        zero16 = jnp.zeros((16,), jnp.float32)

        def zrow(r, carry):
            for k in range(D // 16):
                rows0[r, pl.ds(k * 16, 16)] = zero16
            return carry

        lax.fori_loop(0, ZB, zrow, 0)
        for t in range(ROWS_PER_TILE // ZB):
            pltpu.async_copy(rows0.at[pl.ds(0, ZB)],
                             ax_sp.at[pl.ds(s * ROWS_PER_TILE + t * ZB, ZB)],
                             sem0)
        for t in range(ROWS_PER_TILE // ZB):
            pltpu.make_async_copy(
                rows0.at[pl.ds(0, ZB)],
                ax_sp.at[pl.ds(s * ROWS_PER_TILE + t * ZB, ZB)],
                sem0).wait()
        plsc.subcore_barrier()

        for g in range(NGRP):
            pltpu.sync_copy(src_hbm.at[w, g], src_v)
            pltpu.sync_copy(dst_hbm.at[w, g], dst_v)

            pltpu.async_copy(x_hbm.at[src_v.at[0]], rows0, sem0)
            pltpu.async_copy(x_hbm.at[src_v.at[1]], rows1, sem1)

            def step(i, carry):
                j = 2 * i
                pltpu.make_async_copy(x_hbm.at[src_v.at[j]], rows0,
                                      sem0).wait()
                pltpu.sync_copy(rows0, ax_sp.at[dst_v.at[j]], add=True)

                @pl.when(j + 2 < GCHUNK)
                def _():
                    pltpu.async_copy(x_hbm.at[src_v.at[j + 2]], rows0, sem0)

                pltpu.make_async_copy(x_hbm.at[src_v.at[j + 1]], rows1,
                                      sem1).wait()
                pltpu.sync_copy(rows1, ax_sp.at[dst_v.at[j + 1]], add=True)

                @pl.when(j + 3 < GCHUNK)
                def _():
                    pltpu.async_copy(x_hbm.at[src_v.at[j + 3]], rows1, sem1)

                return carry

            lax.fori_loop(0, GCHUNK // 2, step, 0)
        plsc.subcore_barrier()

        pltpu.sync_copy(ax_sp.at[pl.ds(s * ROWS_PER_TILE, ROWS_PER_TILE)],
                        out_hbm.at[c, pl.ds(s * ROWS_PER_TILE, ROWS_PER_TILE)])

    return sc_scatter


_sc_scatter = _make_sc_scatter()

ROW_BLK = 2000


def _mlp_body(a0_ref, a1_ref, w1_ref, b1_ref, w2_ref, b2_ref, o_ref):
    ax = a0_ref[...] + a1_ref[...]
    h = jnp.dot(ax, w1_ref[...], preferred_element_type=jnp.float32)
    h = jnp.maximum(h + b1_ref[...], 0.0)
    o_ref[...] = jnp.dot(h, w2_ref[...],
                         preferred_element_type=jnp.float32) + b2_ref[...]


def _mlp(a0, a1, W1, b1, W2, b2):
    return pl.pallas_call(
        _mlp_body,
        grid=(N // ROW_BLK,),
        in_specs=[
            pl.BlockSpec((ROW_BLK, D), lambda i: (i, 0)),
            pl.BlockSpec((ROW_BLK, D), lambda i: (i, 0)),
            pl.BlockSpec((D, H), lambda i: (0, 0)),
            pl.BlockSpec((1, H), lambda i: (0, 0)),
            pl.BlockSpec((H, O), lambda i: (0, 0)),
            pl.BlockSpec((1, O), lambda i: (0, 0)),
        ],
        out_specs=pl.BlockSpec((ROW_BLK, O), lambda i: (i, 0)),
        out_shape=jax.ShapeDtypeStruct((N, O), jnp.float32),
    )(a0, a1, W1, b1, W2, b2)


def kernel(x, src, dst, W1, b1, W2, b2):
    src_i = src.astype(jnp.int32).reshape(NW, NGRP, GCHUNK, CHUNK)
    dst_i = dst.astype(jnp.int32).reshape(NW, NGRP, GCHUNK, CHUNK)
    partials = _sc_scatter(x, src_i, dst_i)
    return _mlp(partials[0], partials[1], W1,
                b1.reshape(1, H), W2, b2.reshape(1, O))

# --- scband reference (transcript-rebuilt; emitter-appended) ---
"""Pipeline reference for scband-ginconvolution-16355235463409 (READ-ONLY COPY).

The authoritative reference and input builder live on the scoring server;
editing this copy changes nothing except your own understanding.
"""

import jax, jax.numpy as jnp
import numpy as np

N = 10000   # n_nodes
E = 320000  # n_edges = N * avg_degree(32)
D = 128     # input_dim
H = 64      # hidden_dim
O = 128     # output_dim

def setup_inputs(seed: int = 0) -> dict:
    key = jax.random.key(seed)
    k_x, k_src, k_dst, k_w1, k_w2 = jax.random.split(key, 5)
    x = jax.random.normal(k_x, (N, D), dtype=jnp.float32)
    # support[0] as sparse COO adjacency: row=dst, col=src, unit weights
    src = jax.random.randint(k_src, (E,), 0, N, dtype=jnp.int64)
    dst = jax.random.randint(k_dst, (E,), 0, N, dtype=jnp.int64)
    # MLP_for_GIN (num_mlp_layers=2): Linear(D->H) + ReLU + Linear(H->O)
    W1 = jax.random.normal(k_w1, (D, H), dtype=jnp.float32) * (1.0 / np.sqrt(D))
    b1 = jnp.zeros((H,), dtype=jnp.float32)
    W2 = jax.random.normal(k_w2, (H, O), dtype=jnp.float32) * (1.0 / np.sqrt(H))
    b2 = jnp.zeros((O,), dtype=jnp.float32)
    return {"x": x, "src": src, "dst": dst, "W1": W1, "b1": b1, "W2": W2, "b2": b2}

def reference(x, src, dst, W1, b1, W2, b2):
    # dropout_rate=0.0 (eval) -> identity; single support matrix, featureless=False
    # AX = support[0].mm(x)  ==  scatter-add of gathered source features to dst rows
    msgs = jnp.take(x, src, axis=0)                      # gather [E, D]
    AX = jax.ops.segment_sum(msgs, dst, num_segments=N)  # scatter-add [N, D]
    # out = self.nn(AX)  (MLP_for_GIN: Linear -> ReLU -> Linear)
    h = jax.nn.relu(AX @ W1 + b1)
    out = h @ W2 + b2
    return out

if __name__ == "__main__":
    import jax
    _d = setup_inputs()
    print(jax.jit(kernel)(*tuple(_d.values())))

</pallas_src>

<mosaic_0001>
#map = affine_map<(d0, d1) -> (0, 0)>
#map1 = affine_map<(d0, d1) -> (0, 0, 0, 0)>
#map2 = affine_map<(d0, d1) -> (0, 0, 0)>
module attributes {stable_mosaic.version = 14 : i64} {
  func.func @sc_scatter(%arg0: i32, %arg1: i32, %arg2: memref<10000x128xf32, #tpu.memory_space<hbm>>, %arg3: memref<32x2x40x125xi32, #tpu.memory_space<hbm>>, %arg4: memref<32x2x40x125xi32, #tpu.memory_space<hbm>>, %arg5: memref<2x10240x128xf32, #tpu.memory_space<hbm>>, %arg6: memref<40x125xi32, #tpu.memory_space<vmem>>, %arg7: memref<40x125xi32, #tpu.memory_space<vmem>>, %arg8: memref<125x128xf32, #tpu.memory_space<vmem>>, %arg9: memref<125x128xf32, #tpu.memory_space<vmem>>, %arg10: memref<10240x128xf32, #tpu.memory_space<vmem_shared>>, %arg11: memref<!tpu.dma_semaphore, #tpu.memory_space<semaphore_mem>>, %arg12: memref<!tpu.dma_semaphore, #tpu.memory_space<semaphore_mem>>) attributes {dimension_semantics = [#tpu.dimension_semantics<core_parallel>, #tpu.dimension_semantics<subcore_parallel>], iteration_bounds = array<i64: 2, 16>, scalar_prefetch = 0 : i64, scratch_operands = 7 : i64, tpu.core_type = #tpu.core_type<sc_vector_subcore>, window_params = [{transform_indices = #map}, {transform_indices = #map1}, {transform_indices = #map1}, {transform_indices = #map2}]} {
    %mul3A = arith.constant 2 : i32
    %mul3A_0 = arith.muli %arg1, %mul3A : i32
    %add3A = arith.addi %mul3A_0, %arg0 : i32
    %broadcast_in_dim3A = arith.constant 0.000000e+00 : f32
    %broadcast_in_dim3A_1 = vector.broadcast %broadcast_in_dim3A : f32 to vector<16xf32>
    %scan3A = arith.constant 0 : i32
    %scan3A_2 = arith.constant 0 : i32
    %scan3A_3 = arith.constant 80 : i32
    %scan3A_4 = arith.addi %scan3A_2, %scan3A_3 : i32
    %scan3A_5 = arith.constant 1 : i32
    scf.for %scan3A_277 = %scan3A_2 to %scan3A_4 step %scan3A_5  : i32 {
      %swap3A = arith.index_cast %scan3A_277 : i32 to index
      %swap3A_278 = arith.constant 0 : index
      %swap3A_279 = tpu.vector_load %arg8[%swap3A, %swap3A_278] {strides = array<i32>} : memref<125x128xf32, #tpu.memory_space<vmem>>, vector<1x16xf32>,
      %swap3A_280 = vector.shape_cast %swap3A_279 : vector<1x16xf32> to vector<16xf32>
      %swap3A_281 = vector.shape_cast %broadcast_in_dim3A_1 : vector<16xf32> to vector<1x16xf32>
      tpu.vector_store %arg8[%swap3A, %swap3A_278], %swap3A_281 {strides = array<i32>} : memref<125x128xf32, #tpu.memory_space<vmem>>, vector<1x16xf32>,
      %swap3A_282 = arith.index_cast %scan3A_277 : i32 to index
      %swap3A_283 = arith.constant 16 : index
      %swap3A_284 = tpu.vector_load %arg8[%swap3A_282, %swap3A_283] {strides = array<i32>} : memref<125x128xf32, #tpu.memory_space<vmem>>, vector<1x16xf32>,
      %swap3A_285 = vector.shape_cast %swap3A_284 : vector<1x16xf32> to vector<16xf32>
      %swap3A_286 = vector.shape_cast %broadcast_in_dim3A_1 : vector<16xf32> to vector<1x16xf32>
      tpu.vector_store %arg8[%swap3A_282, %swap3A_283], %swap3A_286 {strides = array<i32>} : memref<125x128xf32, #tpu.memory_space<vmem>>, vector<1x16xf32>,
      %swap3A_287 = arith.index_cast %scan3A_277 : i32 to index
      %swap3A_288 = arith.constant 32 : index
      %swap3A_289 = tpu.vector_load %arg8[%swap3A_287, %swap3A_288] {strides = array<i32>} : memref<125x128xf32, #tpu.memory_space<vmem>>, vector<1x16xf32>,
      %swap3A_290 = vector.shape_cast %swap3A_289 : vector<1x16xf32> to vector<16xf32>
      %swap3A_291 = vector.shape_cast %broadcast_in_dim3A_1 : vector<16xf32> to vector<1x16xf32>
      tpu.vector_store %arg8[%swap3A_287, %swap3A_288], %swap3A_291 {strides = array<i32>} : memref<125x128xf32, #tpu.memory_space<vmem>>, vector<1x16xf32>,
      %swap3A_292 = arith.index_cast %scan3A_277 : i32 to index
      %swap3A_293 = arith.constant 48 : index
      %swap3A_294 = tpu.vector_load %arg8[%swap3A_292, %swap3A_293] {strides = array<i32>} : memref<125x128xf32, #tpu.memory_space<vmem>>, vector<1x16xf32>,
      %swap3A_295 = vector.shape_cast %swap3A_294 : vector<1x16xf32> to vector<16xf32>
      %swap3A_296 = vector.shape_cast %broadcast_in_dim3A_1 : vector<16xf32> to vector<1x16xf32>
      tpu.vector_store %arg8[%swap3A_292, %swap3A_293], %swap3A_296 {strides = array<i32>} : memref<125x128xf32, #tpu.memory_space<vmem>>, vector<1x16xf32>,
      %swap3A_297 = arith.index_cast %scan3A_277 : i32 to index
      %swap3A_298 = arith.constant 64 : index
      %swap3A_299 = tpu.vector_load %arg8[%swap3A_297, %swap3A_298] {strides = array<i32>} : memref<125x128xf32, #tpu.memory_space<vmem>>, vector<1x16xf32>,
      %swap3A_300 = vector.shape_cast %swap3A_299 : vector<1x16xf32> to vector<16xf32>
      %swap3A_301 = vector.shape_cast %broadcast_in_dim3A_1 : vector<16xf32> to vector<1x16xf32>
      tpu.vector_store %arg8[%swap3A_297, %swap3A_298], %swap3A_301 {strides = array<i32>} : memref<125x128xf32, #tpu.memory_space<vmem>>, vector<1x16xf32>,
      %swap3A_302 = arith.index_cast %scan3A_277 : i32 to index
      %swap3A_303 = arith.constant 80 : index
      %swap3A_304 = tpu.vector_load %arg8[%swap3A_302, %swap3A_303] {strides = array<i32>} : memref<125x128xf32, #tpu.memory_space<vmem>>, vector<1x16xf32>,
      %swap3A_305 = vector.shape_cast %swap3A_304 : vector<1x16xf32> to vector<16xf32>
      %swap3A_306 = vector.shape_cast %broadcast_in_dim3A_1 : vector<16xf32> to vector<1x16xf32>
      tpu.vector_store %arg8[%swap3A_302, %swap3A_303], %swap3A_306 {strides = array<i32>} : memref<125x128xf32, #tpu.memory_space<vmem>>, vector<1x16xf32>,
      %swap3A_307 = arith.index_cast %scan3A_277 : i32 to index
      %swap3A_308 = arith.constant 96 : index
      %swap3A_309 = tpu.vector_load %arg8[%swap3A_307, %swap3A_308] {strides = array<i32>} : memref<125x128xf32, #tpu.memory_space<vmem>>, vector<1x16xf32>,
      %swap3A_310 = vector.shape_cast %swap3A_309 : vector<1x16xf32> to vector<16xf32>
      %swap3A_311 = vector.shape_cast %broadcast_in_dim3A_1 : vector<16xf32> to vector<1x16xf32>
      tpu.vector_store %arg8[%swap3A_307, %swap3A_308], %swap3A_311 {strides = array<i32>} : memref<125x128xf32, #tpu.memory_space<vmem>>, vector<1x16xf32>,
      %swap3A_312 = arith.index_cast %scan3A_277 : i32 to index
      %swap3A_313 = arith.constant 112 : index
      %swap3A_314 = tpu.vector_load %arg8[%swap3A_312, %swap3A_313] {strides = array<i32>} : memref<125x128xf32, #tpu.memory_space<vmem>>, vector<1x16xf32>,
      %swap3A_315 = vector.shape_cast %swap3A_314 : vector<1x16xf32> to vector<16xf32>
      %swap3A_316 = vector.shape_cast %broadcast_in_dim3A_1 : vector<16xf32> to vector<1x16xf32>
      tpu.vector_store %arg8[%swap3A_312, %swap3A_313], %swap3A_316 {strides = array<i32>} : memref<125x128xf32, #tpu.memory_space<vmem>>, vector<1x16xf32>,
    }
    %scan3A_6 = arith.constant 80 : i32
    %mul3A_7 = arith.constant 640 : i32
    %mul3A_8 = arith.muli %arg1, %mul3A_7 : i32
    %add3A_9 = arith.constant 0 : i32
    %add3A_10 = arith.addi %mul3A_8, %add3A_9 : i32
    %dma_start3A = arith.constant 0 : i32
    %dma_start3A_11 = arith.constant 0 : i32
    %dma_start3A_12 = tpu.memref_slice %arg8[%dma_start3A, %dma_start3A_11] : memref<125x128xf32, #tpu.memory_space<vmem>> -> memref<80x128xf32, #tpu.memory_space<vmem>>
    %dma_start3A_13 = arith.constant 0 : i32
    %dma_start3A_14 = tpu.memref_slice %arg10[%add3A_10, %dma_start3A_13] : memref<10240x128xf32, #tpu.memory_space<vmem_shared>> -> memref<80x128xf32, #tpu.memory_space<vmem_shared>>
    %dma_start3A_15 = arith.constant 0 : i32
    %dma_start3A_16 = tpu.memref_slice %arg10[%add3A_10, %dma_start3A_15] : memref<10240x128xf32, #tpu.memory_space<vmem_shared>> -> memref<80x128xf32, #tpu.memory_space<vmem_shared>>
    %dma_start3A_17 = arith.constant 0 : i32
    %dma_start3A_18 = arith.constant 0 : i32
    %dma_start3A_19 = tpu.memref_slice %arg8[%dma_start3A_17, %dma_start3A_18] : memref<125x128xf32, #tpu.memory_space<vmem>> -> memref<80x128xf32, #tpu.memory_space<vmem>>
    tpu.enqueue_dma source(%dma_start3A_19 : memref<80x128xf32, #tpu.memory_space<vmem>>) target(%dma_start3A_16 : memref<80x128xf32, #tpu.memory_space<vmem_shared>>) target_semaphore(%arg11 : memref<!tpu.dma_semaphore, #tpu.memory_space<semaphore_mem>>)
    %mul3A_20 = arith.constant 640 : i32
    %mul3A_21 = arith.muli %arg1, %mul3A_20 : i32
    %add3A_22 = arith.constant 80 : i32
    %add3A_23 = arith.addi %mul3A_21, %add3A_22 : i32
    %dma_start3A_24 = arith.constant 0 : i32
    %dma_start3A_25 = arith.constant 0 : i32
    %dma_start3A_26 = tpu.memref_slice %arg8[%dma_start3A_24, %dma_start3A_25] : memref<125x128xf32, #tpu.memory_space<vmem>> -> memref<80x128xf32, #tpu.memory_space<vmem>>
    %dma_start3A_27 = arith.constant 0 : i32
    %dma_start3A_28 = tpu.memref_slice %arg10[%add3A_23, %dma_start3A_27] : memref<10240x128xf32, #tpu.memory_space<vmem_shared>> -> memref<80x128xf32, #tpu.memory_space<vmem_shared>>
    %dma_start3A_29 = arith.constant 0 : i32
    %dma_start3A_30 = tpu.memref_slice %arg10[%add3A_23, %dma_start3A_29] : memref<10240x128xf32, #tpu.memory_space<vmem_shared>> -> memref<80x128xf32, #tpu.memory_space<vmem_shared>>
    %dma_start3A_31 = arith.constant 0 : i32
    %dma_start3A_32 = arith.constant 0 : i32
    %dma_start3A_33 = tpu.memref_slice %arg8[%dma_start3A_31, %dma_start3A_32] : memref<125x128xf32, #tpu.memory_space<vmem>> -> memref<80x128xf32, #tpu.memory_space<vmem>>
    tpu.enqueue_dma source(%dma_start3A_33 : memref<80x128xf32, #tpu.memory_space<vmem>>) target(%dma_start3A_30 : memref<80x128xf32, #tpu.memory_space<vmem_shared>>) target_semaphore(%arg11 : memref<!tpu.dma_semaphore, #tpu.memory_space<semaphore_mem>>)
    %mul3A_34 = arith.constant 640 : i32
    %mul3A_35 = arith.muli %arg1, %mul3A_34 : i32
    %add3A_36 = arith.constant 160 : i32
    %add3A_37 = arith.addi %mul3A_35, %add3A_36 : i32
    %dma_start3A_38 = arith.constant 0 : i32
    %dma_start3A_39 = arith.constant 0 : i32
    %dma_start3A_40 = tpu.memref_slice %arg8[%dma_start3A_38, %dma_start3A_39] : memref<125x128xf32, #tpu.memory_space<vmem>> -> memref<80x128xf32, #tpu.memory_space<vmem>>
    %dma_start3A_41 = arith.constant 0 : i32
    %dma_start3A_42 = tpu.memref_slice %arg10[%add3A_37, %dma_start3A_41] : memref<10240x128xf32, #tpu.memory_space<vmem_shared>> -> memref<80x128xf32, #tpu.memory_space<vmem_shared>>
    %dma_start3A_43 = arith.constant 0 : i32
    %dma_start3A_44 = tpu.memref_slice %arg10[%add3A_37, %dma_start3A_43] : memref<10240x128xf32, #tpu.memory_space<vmem_shared>> -> memref<80x128xf32, #tpu.memory_space<vmem_shared>>
    %dma_start3A_45 = arith.constant 0 : i32
    %dma_start3A_46 = arith.constant 0 : i32
    %dma_start3A_47 = tpu.memref_slice %arg8[%dma_start3A_45, %dma_start3A_46] : memref<125x128xf32, #tpu.memory_space<vmem>> -> memref<80x128xf32, #tpu.memory_space<vmem>>
    tpu.enqueue_dma source(%dma_start3A_47 : memref<80x128xf32, #tpu.memory_space<vmem>>) target(%dma_start3A_44 : memref<80x128xf32, #tpu.memory_space<vmem_shared>>) target_semaphore(%arg11 : memref<!tpu.dma_semaphore, #tpu.memory_space<semaphore_mem>>)
    %mul3A_48 = arith.constant 640 : i32
    %mul3A_49 = arith.muli %arg1, %mul3A_48 : i32
    %add3A_50 = arith.constant 240 : i32
    %add3A_51 = arith.addi %mul3A_49, %add3A_50 : i32
    %dma_start3A_52 = arith.constant 0 : i32
    %dma_start3A_53 = arith.constant 0 : i32
    %dma_start3A_54 = tpu.memref_slice %arg8[%dma_start3A_52, %dma_start3A_53] : memref<125x128xf32, #tpu.memory_space<vmem>> -> memref<80x128xf32, #tpu.memory_space<vmem>>
    %dma_start3A_55 = arith.constant 0 : i32
    %dma_start3A_56 = tpu.memref_slice %arg10[%add3A_51, %dma_start3A_55] : memref<10240x128xf32, #tpu.memory_space<vmem_shared>> -> memref<80x128xf32, #tpu.memory_space<vmem_shared>>
    %dma_start3A_57 = arith.constant 0 : i32
    %dma_start3A_58 = tpu.memref_slice %arg10[%add3A_51, %dma_start3A_57] : memref<10240x128xf32, #tpu.memory_space<vmem_shared>> -> memref<80x128xf32, #tpu.memory_space<vmem_shared>>
    %dma_start3A_59 = arith.constant 0 : i32
    %dma_start3A_60 = arith.constant 0 : i32
    %dma_start3A_61 = tpu.memref_slice %arg8[%dma_start3A_59, %dma_start3A_60] : memref<125x128xf32, #tpu.memory_space<vmem>> -> memref<80x128xf32, #tpu.memory_space<vmem>>
    tpu.enqueue_dma source(%dma_start3A_61 : memref<80x128xf32, #tpu.memory_space<vmem>>) target(%dma_start3A_58 : memref<80x128xf32, #tpu.memory_space<vmem_shared>>) target_semaphore(%arg11 : memref<!tpu.dma_semaphore, #tpu.memory_space<semaphore_mem>>)
    %mul3A_62 = arith.constant 640 : i32
    %mul3A_63 = arith.muli %arg1, %mul3A_62 : i32
    %add3A_64 = arith.constant 320 : i32
    %add3A_65 = arith.addi %mul3A_63, %add3A_64 : i32
    %dma_start3A_66 = arith.constant 0 : i32
    %dma_start3A_67 = arith.constant 0 : i32
    %dma_start3A_68 = tpu.memref_slice %arg8[%dma_start3A_66, %dma_start3A_67] : memref<125x128xf32, #tpu.memory_space<vmem>> -> memref<80x128xf32, #tpu.memory_space<vmem>>
    %dma_start3A_69 = arith.constant 0 : i32
    %dma_start3A_70 = tpu.memref_slice %arg10[%add3A_65, %dma_start3A_69] : memref<10240x128xf32, #tpu.memory_space<vmem_shared>> -> memref<80x128xf32, #tpu.memory_space<vmem_shared>>
    %dma_start3A_71 = arith.constant 0 : i32
    %dma_start3A_72 = tpu.memref_slice %arg10[%add3A_65, %dma_start3A_71] : memref<10240x128xf32, #tpu.memory_space<vmem_shared>> -> memref<80x128xf32, #tpu.memory_space<vmem_shared>>
    %dma_start3A_73 = arith.constant 0 : i32
    %dma_start3A_74 = arith.constant 0 : i32
    %dma_start3A_75 = tpu.memref_slice %arg8[%dma_start3A_73, %dma_start3A_74] : memref<125x128xf32, #tpu.memory_space<vmem>> -> memref<80x128xf32, #tpu.memory_space<vmem>>
    tpu.enqueue_dma source(%dma_start3A_75 : memref<80x128xf32, #tpu.memory_space<vmem>>) target(%dma_start3A_72 : memref<80x128xf32, #tpu.memory_space<vmem_shared>>) target_semaphore(%arg11 : memref<!tpu.dma_semaphore, #tpu.memory_space<semaphore_mem>>)
    %mul3A_76 = arith.constant 640 : i32
    %mul3A_77 = arith.muli %arg1, %mul3A_76 : i32
    %add3A_78 = arith.constant 400 : i32
    %add3A_79 = arith.addi %mul3A_77, %add3A_78 : i32
    %dma_start3A_80 = arith.constant 0 : i32
    %dma_start3A_81 = arith.constant 0 : i32
    %dma_start3A_82 = tpu.memref_slice %arg8[%dma_start3A_80, %dma_start3A_81] : memref<125x128xf32, #tpu.memory_space<vmem>> -> memref<80x128xf32, #tpu.memory_space<vmem>>
    %dma_start3A_83 = arith.constant 0 : i32
    %dma_start3A_84 = tpu.memref_slice %arg10[%add3A_79, %dma_start3A_83] : memref<10240x128xf32, #tpu.memory_space<vmem_shared>> -> memref<80x128xf32, #tpu.memory_space<vmem_shared>>
    %dma_start3A_85 = arith.constant 0 : i32
    %dma_start3A_86 = tpu.memref_slice %arg10[%add3A_79, %dma_start3A_85] : memref<10240x128xf32, #tpu.memory_space<vmem_shared>> -> memref<80x128xf32, #tpu.memory_space<vmem_shared>>
    %dma_start3A_87 = arith.constant 0 : i32
    %dma_start3A_88 = arith.constant 0 : i32
    %dma_start3A_89 = tpu.memref_slice %arg8[%dma_start3A_87, %dma_start3A_88] : memref<125x128xf32, #tpu.memory_space<vmem>> -> memref<80x128xf32, #tpu.memory_space<vmem>>
    tpu.enqueue_dma source(%dma_start3A_89 : memref<80x128xf32, #tpu.memory_space<vmem>>) target(%dma_start3A_86 : memref<80x128xf32, #tpu.memory_space<vmem_shared>>) target_semaphore(%arg11 : memref<!tpu.dma_semaphore, #tpu.memory_space<semaphore_mem>>)
    %mul3A_90 = arith.constant 640 : i32
    %mul3A_91 = arith.muli %arg1, %mul3A_90 : i32
    %add3A_92 = arith.constant 480 : i32
    %add3A_93 = arith.addi %mul3A_91, %add3A_92 : i32
    %dma_start3A_94 = arith.constant 0 : i32
    %dma_start3A_95 = arith.constant 0 : i32
    %dma_start3A_96 = tpu.memref_slice %arg8[%dma_start3A_94, %dma_start3A_95] : memref<125x128xf32, #tpu.memory_space<vmem>> -> memref<80x128xf32, #tpu.memory_space<vmem>>
    %dma_start3A_97 = arith.constant 0 : i32
    %dma_start3A_98 = tpu.memref_slice %arg10[%add3A_93, %dma_start3A_97] : memref<10240x128xf32, #tpu.memory_space<vmem_shared>> -> memref<80x128xf32, #tpu.memory_space<vmem_shared>>
    %dma_start3A_99 = arith.constant 0 : i32
    %dma_start3A_100 = tpu.memref_slice %arg10[%add3A_93, %dma_start3A_99] : memref<10240x128xf32, #tpu.memory_space<vmem_shared>> -> memref<80x128xf32, #tpu.memory_space<vmem_shared>>
    %dma_start3A_101 = arith.constant 0 : i32
    %dma_start3A_102 = arith.constant 0 : i32
    %dma_start3A_103 = tpu.memref_slice %arg8[%dma_start3A_101, %dma_start3A_102] : memref<125x128xf32, #tpu.memory_space<vmem>> -> memref<80x128xf32, #tpu.memory_space<vmem>>
    tpu.enqueue_dma source(%dma_start3A_103 : memref<80x128xf32, #tpu.memory_space<vmem>>) target(%dma_start3A_100 : memref<80x128xf32, #tpu.memory_space<vmem_shared>>) target_semaphore(%arg11 : memref<!tpu.dma_semaphore, #tpu.memory_space<semaphore_mem>>)
    %mul3A_104 = arith.constant 640 : i32
    %mul3A_105 = arith.muli %arg1, %mul3A_104 : i32
    %add3A_106 = arith.constant 560 : i32
    %add3A_107 = arith.addi %mul3A_105, %add3A_106 : i32
    %dma_start3A_108 = arith.constant 0 : i32
    %dma_start3A_109 = arith.constant 0 : i32
    %dma_start3A_110 = tpu.memref_slice %arg8[%dma_start3A_108, %dma_start3A_109] : memref<125x128xf32, #tpu.memory_space<vmem>> -> memref<80x128xf32, #tpu.memory_space<vmem>>
    %dma_start3A_111 = arith.constant 0 : i32
    %dma_start3A_112 = tpu.memref_slice %arg10[%add3A_107, %dma_start3A_111] : memref<10240x128xf32, #tpu.memory_space<vmem_shared>> -> memref<80x128xf32, #tpu.memory_space<vmem_shared>>
    %dma_start3A_113 = arith.constant 0 : i32
    %dma_start3A_114 = tpu.memref_slice %arg10[%add3A_107, %dma_start3A_113] : memref<10240x128xf32, #tpu.memory_space<vmem_shared>> -> memref<80x128xf32, #tpu.memory_space<vmem_shared>>
    %dma_start3A_115 = arith.constant 0 : i32
    %dma_start3A_116 = arith.constant 0 : i32
    %dma_start3A_117 = tpu.memref_slice %arg8[%dma_start3A_115, %dma_start3A_116] : memref<125x128xf32, #tpu.memory_space<vmem>> -> memref<80x128xf32, #tpu.memory_space<vmem>>
    tpu.enqueue_dma source(%dma_start3A_117 : memref<80x128xf32, #tpu.memory_space<vmem>>) target(%dma_start3A_114 : memref<80x128xf32, #tpu.memory_space<vmem_shared>>) target_semaphore(%arg11 : memref<!tpu.dma_semaphore, #tpu.memory_space<semaphore_mem>>)
    %mul3A_118 = arith.constant 640 : i32
    %mul3A_119 = arith.muli %arg1, %mul3A_118 : i32
    %add3A_120 = arith.constant 0 : i32
    %add3A_121 = arith.addi %mul3A_119, %add3A_120 : i32
    %dma_wait3A = arith.constant 0 : i32
    %dma_wait3A_122 = arith.constant 0 : i32
    %dma_wait3A_123 = tpu.memref_slice %arg8[%dma_wait3A, %dma_wait3A_122] : memref<125x128xf32, #tpu.memory_space<vmem>> -> memref<80x128xf32, #tpu.memory_space<vmem>>
    %dma_wait3A_124 = arith.constant 0 : i32
    %dma_wait3A_125 = tpu.memref_slice %arg10[%add3A_121, %dma_wait3A_124] : memref<10240x128xf32, #tpu.memory_space<vmem_shared>> -> memref<80x128xf32, #tpu.memory_space<vmem_shared>>
    %dma_wait3A_126 = arith.constant 0 : i32
    %dma_wait3A_127 = tpu.memref_slice %arg10[%add3A_121, %dma_wait3A_126] : memref<10240x128xf32, #tpu.memory_space<vmem_shared>> -> memref<80x128xf32, #tpu.memory_space<vmem_shared>>
    %dma_wait3A_128 = arith.constant 0 : i32
    %dma_wait3A_129 = arith.constant 0 : i32
    %dma_wait3A_130 = tpu.memref_slice %arg8[%dma_wait3A_128, %dma_wait3A_129] : memref<125x128xf32, #tpu.memory_space<vmem>> -> memref<80x128xf32, #tpu.memory_space<vmem>>
    tpu.wait_dma2 semaphore(%arg11 : memref<!tpu.dma_semaphore, #tpu.memory_space<semaphore_mem>>) src(%dma_wait3A_130 : memref<80x128xf32, #tpu.memory_space<vmem>>) dst(%dma_wait3A_127 : memref<80x128xf32, #tpu.memory_space<vmem_shared>>)
    %mul3A_131 = arith.constant 640 : i32
    %mul3A_132 = arith.muli %arg1, %mul3A_131 : i32
    %add3A_133 = arith.constant 80 : i32
    %add3A_134 = arith.addi %mul3A_132, %add3A_133 : i32
    %dma_wait3A_135 = arith.constant 0 : i32
    %dma_wait3A_136 = arith.constant 0 : i32
    %dma_wait3A_137 = tpu.memref_slice %arg8[%dma_wait3A_135, %dma_wait3A_136] : memref<125x128xf32, #tpu.memory_space<vmem>> -> memref<80x128xf32, #tpu.memory_space<vmem>>
    %dma_wait3A_138 = arith.constant 0 : i32
    %dma_wait3A_139 = tpu.memref_slice %arg10[%add3A_134, %dma_wait3A_138] : memref<10240x128xf32, #tpu.memory_space<vmem_shared>> -> memref<80x128xf32, #tpu.memory_space<vmem_shared>>
    %dma_wait3A_140 = arith.constant 0 : i32
    %dma_wait3A_141 = tpu.memref_slice %arg10[%add3A_134, %dma_wait3A_140] : memref<10240x128xf32, #tpu.memory_space<vmem_shared>> -> memref<80x128xf32, #tpu.memory_space<vmem_shared>>
    %dma_wait3A_142 = arith.constant 0 : i32
    %dma_wait3A_143 = arith.constant 0 : i32
    %dma_wait3A_144 = tpu.memref_slice %arg8[%dma_wait3A_142, %dma_wait3A_143] : memref<125x128xf32, #tpu.memory_space<vmem>> -> memref<80x128xf32, #tpu.memory_space<vmem>>
    tpu.wait_dma2 semaphore(%arg11 : memref<!tpu.dma_semaphore, #tpu.memory_space<semaphore_mem>>) src(%dma_wait3A_144 : memref<80x128xf32, #tpu.memory_space<vmem>>) dst(%dma_wait3A_141 : memref<80x128xf32, #tpu.memory_space<vmem_shared>>)
    %mul3A_145 = arith.constant 640 : i32
    %mul3A_146 = arith.muli %arg1, %mul3A_145 : i32
    %add3A_147 = arith.constant 160 : i32
    %add3A_148 = arith.addi %mul3A_146, %add3A_147 : i32
    %dma_wait3A_149 = arith.constant 0 : i32
    %dma_wait3A_150 = arith.constant 0 : i32
    %dma_wait3A_151 = tpu.memref_slice %arg8[%dma_wait3A_149, %dma_wait3A_150] : memref<125x128xf32, #tpu.memory_space<vmem>> -> memref<80x128xf32, #tpu.memory_space<vmem>>
    %dma_wait3A_152 = arith.constant 0 : i32
    %dma_wait3A_153 = tpu.memref_slice %arg10[%add3A_148, %dma_wait3A_152] : memref<10240x128xf32, #tpu.memory_space<vmem_shared>> -> memref<80x128xf32, #tpu.memory_space<vmem_shared>>
    %dma_wait3A_154 = arith.constant 0 : i32
    %dma_wait3A_155 = tpu.memref_slice %arg10[%add3A_148, %dma_wait3A_154] : memref<10240x128xf32, #tpu.memory_space<vmem_shared>> -> memref<80x128xf32, #tpu.memory_space<vmem_shared>>
    %dma_wait3A_156 = arith.constant 0 : i32
    %dma_wait3A_157 = arith.constant 0 : i32
    %dma_wait3A_158 = tpu.memref_slice %arg8[%dma_wait3A_156, %dma_wait3A_157] : memref<125x128xf32, #tpu.memory_space<vmem>> -> memref<80x128xf32, #tpu.memory_space<vmem>>
    tpu.wait_dma2 semaphore(%arg11 : memref<!tpu.dma_semaphore, #tpu.memory_space<semaphore_mem>>) src(%dma_wait3A_158 : memref<80x128xf32, #tpu.memory_space<vmem>>) dst(%dma_wait3A_155 : memref<80x128xf32, #tpu.memory_space<vmem_shared>>)
    %mul3A_159 = arith.constant 640 : i32
    %mul3A_160 = arith.muli %arg1, %mul3A_159 : i32
    %add3A_161 = arith.constant 240 : i32
    %add3A_162 = arith.addi %mul3A_160, %add3A_161 : i32
    %dma_wait3A_163 = arith.constant 0 : i32
    %dma_wait3A_164 = arith.constant 0 : i32
    %dma_wait3A_165 = tpu.memref_slice %arg8[%dma_wait3A_163, %dma_wait3A_164] : memref<125x128xf32, #tpu.memory_space<vmem>> -> memref<80x128xf32, #tpu.memory_space<vmem>>
    %dma_wait3A_166 = arith.constant 0 : i32
    %dma_wait3A_167 = tpu.memref_slice %arg10[%add3A_162, %dma_wait3A_166] : memref<10240x128xf32, #tpu.memory_space<vmem_shared>> -> memref<80x128xf32, #tpu.memory_space<vmem_shared>>
    %dma_wait3A_168 = arith.constant 0 : i32
    %dma_wait3A_169 = tpu.memref_slice %arg10[%add3A_162, %dma_wait3A_168] : memref<10240x128xf32, #tpu.memory_space<vmem_shared>> -> memref<80x128xf32, #tpu.memory_space<vmem_shared>>
    %dma_wait3A_170 = arith.constant 0 : i32
    %dma_wait3A_171 = arith.constant 0 : i32
    %dma_wait3A_172 = tpu.memref_slice %arg8[%dma_wait3A_170, %dma_wait3A_171] : memref<125x128xf32, #tpu.memory_space<vmem>> -> memref<80x128xf32, #tpu.memory_space<vmem>>
    tpu.wait_dma2 semaphore(%arg11 : memref<!tpu.dma_semaphore, #tpu.memory_space<semaphore_mem>>) src(%dma_wait3A_172 : memref<80x128xf32, #tpu.memory_space<vmem>>) dst(%dma_wait3A_169 : memref<80x128xf32, #tpu.memory_space<vmem_shared>>)
    %mul3A_173 = arith.constant 640 : i32
    %mul3A_174 = arith.muli %arg1, %mul3A_173 : i32
    %add3A_175 = arith.constant 320 : i32
    %add3A_176 = arith.addi %mul3A_174, %add3A_175 : i32
    %dma_wait3A_177 = arith.constant 0 : i32
    %dma_wait3A_178 = arith.constant 0 : i32
    %dma_wait3A_179 = tpu.memref_slice %arg8[%dma_wait3A_177, %dma_wait3A_178] : memref<125x128xf32, #tpu.memory_space<vmem>> -> memref<80x128xf32, #tpu.memory_space<vmem>>
    %dma_wait3A_180 = arith.constant 0 : i32
    %dma_wait3A_181 = tpu.memref_slice %arg10[%add3A_176, %dma_wait3A_180] : memref<10240x128xf32, #tpu.memory_space<vmem_shared>> -> memref<80x128xf32, #tpu.memory_space<vmem_shared>>
    %dma_wait3A_182 = arith.constant 0 : i32
    %dma_wait3A_183 = tpu.memref_slice %arg10[%add3A_176, %dma_wait3A_182] : memref<10240x128xf32, #tpu.memory_space<vmem_shared>> -> memref<80x128xf32, #tpu.memory_space<vmem_shared>>
    %dma_wait3A_184 = arith.constant 0 : i32
    %dma_wait3A_185 = arith.constant 0 : i32
    %dma_wait3A_186 = tpu.memref_slice %arg8[%dma_wait3A_184, %dma_wait3A_185] : memref<125x128xf32, #tpu.memory_space<vmem>> -> memref<80x128xf32, #tpu.memory_space<vmem>>
    tpu.wait_dma2 semaphore(%arg11 : memref<!tpu.dma_semaphore, #tpu.memory_space<semaphore_mem>>) src(%dma_wait3A_186 : memref<80x128xf32, #tpu.memory_space<vmem>>) dst(%dma_wait3A_183 : memref<80x128xf32, #tpu.memory_space<vmem_shared>>)
    %mul3A_187 = arith.constant 640 : i32
    %mul3A_188 = arith.muli %arg1, %mul3A_187 : i32
    %add3A_189 = arith.constant 400 : i32
    %add3A_190 = arith.addi %mul3A_188, %add3A_189 : i32
    %dma_wait3A_191 = arith.constant 0 : i32
    %dma_wait3A_192 = arith.constant 0 : i32
    %dma_wait3A_193 = tpu.memref_slice %arg8[%dma_wait3A_191, %dma_wait3A_192] : memref<125x128xf32, #tpu.memory_space<vmem>> -> memref<80x128xf32, #tpu.memory_space<vmem>>
    %dma_wait3A_194 = arith.constant 0 : i32
    %dma_wait3A_195 = tpu.memref_slice %arg10[%add3A_190, %dma_wait3A_194] : memref<10240x128xf32, #tpu.memory_space<vmem_shared>> -> memref<80x128xf32, #tpu.memory_space<vmem_shared>>
    %dma_wait3A_196 = arith.constant 0 : i32
    %dma_wait3A_197 = tpu.memref_slice %arg10[%add3A_190, %dma_wait3A_196] : memref<10240x128xf32, #tpu.memory_space<vmem_shared>> -> memref<80x128xf32, #tpu.memory_space<vmem_shared>>
    %dma_wait3A_198 = arith.constant 0 : i32
    %dma_wait3A_199 = arith.constant 0 : i32
    %dma_wait3A_200 = tpu.memref_slice %arg8[%dma_wait3A_198, %dma_wait3A_199] : memref<125x128xf32, #tpu.memory_space<vmem>> -> memref<80x128xf32, #tpu.memory_space<vmem>>
    tpu.wait_dma2 semaphore(%arg11 : memref<!tpu.dma_semaphore, #tpu.memory_space<semaphore_mem>>) src(%dma_wait3A_200 : memref<80x128xf32, #tpu.memory_space<vmem>>) dst(%dma_wait3A_197 : memref<80x128xf32, #tpu.memory_space<vmem_shared>>)
    %mul3A_201 = arith.constant 640 : i32
    %mul3A_202 = arith.muli %arg1, %mul3A_201 : i32
    %add3A_203 = arith.constant 480 : i32
    %add3A_204 = arith.addi %mul3A_202, %add3A_203 : i32
    %dma_wait3A_205 = arith.constant 0 : i32
    %dma_wait3A_206 = arith.constant 0 : i32
    %dma_wait3A_207 = tpu.memref_slice %arg8[%dma_wait3A_205, %dma_wait3A_206] : memref<125x128xf32, #tpu.memory_space<vmem>> -> memref<80x128xf32, #tpu.memory_space<vmem>>
    %dma_wait3A_208 = arith.constant 0 : i32
    %dma_wait3A_209 = tpu.memref_slice %arg10[%add3A_204, %dma_wait3A_208] : memref<10240x128xf32, #tpu.memory_space<vmem_shared>> -> memref<80x128xf32, #tpu.memory_space<vmem_shared>>
    %dma_wait3A_210 = arith.constant 0 : i32
    %dma_wait3A_211 = tpu.memref_slice %arg10[%add3A_204, %dma_wait3A_210] : memref<10240x128xf32, #tpu.memory_space<vmem_shared>> -> memref<80x128xf32, #tpu.memory_space<vmem_shared>>
    %dma_wait3A_212 = arith.constant 0 : i32
    %dma_wait3A_213 = arith.constant 0 : i32
    %dma_wait3A_214 = tpu.memref_slice %arg8[%dma_wait3A_212, %dma_wait3A_213] : memref<125x128xf32, #tpu.memory_space<vmem>> -> memref<80x128xf32, #tpu.memory_space<vmem>>
    tpu.wait_dma2 semaphore(%arg11 : memref<!tpu.dma_semaphore, #tpu.memory_space<semaphore_mem>>) src(%dma_wait3A_214 : memref<80x128xf32, #tpu.memory_space<vmem>>) dst(%dma_wait3A_211 : memref<80x128xf32, #tpu.memory_space<vmem_shared>>)
    %mul3A_215 = arith.constant 640 : i32
    %mul3A_216 = arith.muli %arg1, %mul3A_215 : i32
    %add3A_217 = arith.constant 560 : i32
    %add3A_218 = arith.addi %mul3A_216, %add3A_217 : i32
    %dma_wait3A_219 = arith.constant 0 : i32
    %dma_wait3A_220 = arith.constant 0 : i32
    %dma_wait3A_221 = tpu.memref_slice %arg8[%dma_wait3A_219, %dma_wait3A_220] : memref<125x128xf32, #tpu.memory_space<vmem>> -> memref<80x128xf32, #tpu.memory_space<vmem>>
    %dma_wait3A_222 = arith.constant 0 : i32
    %dma_wait3A_223 = tpu.memref_slice %arg10[%add3A_218, %dma_wait3A_222] : memref<10240x128xf32, #tpu.memory_space<vmem_shared>> -> memref<80x128xf32, #tpu.memory_space<vmem_shared>>
    %dma_wait3A_224 = arith.constant 0 : i32
    %dma_wait3A_225 = tpu.memref_slice %arg10[%add3A_218, %dma_wait3A_224] : memref<10240x128xf32, #tpu.memory_space<vmem_shared>> -> memref<80x128xf32, #tpu.memory_space<vmem_shared>>
    %dma_wait3A_226 = arith.constant 0 : i32
    %dma_wait3A_227 = arith.constant 0 : i32
    %dma_wait3A_228 = tpu.memref_slice %arg8[%dma_wait3A_226, %dma_wait3A_227] : memref<125x128xf32, #tpu.memory_space<vmem>> -> memref<80x128xf32, #tpu.memory_space<vmem>>
    tpu.wait_dma2 semaphore(%arg11 : memref<!tpu.dma_semaphore, #tpu.memory_space<semaphore_mem>>) src(%dma_wait3A_228 : memref<80x128xf32, #tpu.memory_space<vmem>>) dst(%dma_wait3A_225 : memref<80x128xf32, #tpu.memory_space<vmem_shared>>)
    %barrier3A = arith.constant 0 : index
    tpu.barrier barrier_id(%barrier3A)
    %run_scoped3A = arith.constant 0 : i32
    "tpu.region"() ({
      %run_scoped3A_277 = tpu.sem_alloc : memref<!tpu.dma_semaphore, #tpu.memory_space<semaphore_mem>>
      %dma_start3A_278 = arith.constant 0 : i32
      %dma_start3A_279 = arith.constant 0 : i32
      %dma_start3A_280 = tpu.memref_slice %arg3[%add3A, %run_scoped3A, %dma_start3A_278, %dma_start3A_279] : memref<32x2x40x125xi32, #tpu.memory_space<hbm>> -> memref<1x1x40x125xi32, #tpu.memory_space<hbm>>
      %dma_start3A_281 = tpu.memref_squeeze %dma_start3A_280 : memref<1x1x40x125xi32, #tpu.memory_space<hbm>> -> memref<40x125xi32, #tpu.memory_space<hbm>>
      %dma_start3A_282 = arith.constant 0 : i32
      %dma_start3A_283 = arith.constant 0 : i32
      %dma_start3A_284 = tpu.memref_slice %arg3[%add3A, %run_scoped3A, %dma_start3A_282, %dma_start3A_283] : memref<32x2x40x125xi32, #tpu.memory_space<hbm>> -> memref<1x1x40x125xi32, #tpu.memory_space<hbm>>
      %dma_start3A_285 = tpu.memref_squeeze %dma_start3A_284 : memref<1x1x40x125xi32, #tpu.memory_space<hbm>> -> memref<40x125xi32, #tpu.memory_space<hbm>>
      tpu.enqueue_dma source(%dma_start3A_285 : memref<40x125xi32, #tpu.memory_space<hbm>>) target(%arg6 : memref<40x125xi32, #tpu.memory_space<vmem>>) target_semaphore(%run_scoped3A_277 : memref<!tpu.dma_semaphore, #tpu.memory_space<semaphore_mem>>)
      %dma_wait3A_286 = arith.constant 0 : i32
      %dma_wait3A_287 = arith.constant 0 : i32
      %dma_wait3A_288 = tpu.memref_slice %arg3[%add3A, %run_scoped3A, %dma_wait3A_286, %dma_wait3A_287] : memref<32x2x40x125xi32, #tpu.memory_space<hbm>> -> memref<1x1x40x125xi32, #tpu.memory_space<hbm>>
      %dma_wait3A_289 = tpu.memref_squeeze %dma_wait3A_288 : memref<1x1x40x125xi32, #tpu.memory_space<hbm>> -> memref<40x125xi32, #tpu.memory_space<hbm>>
      %dma_wait3A_290 = arith.constant 0 : i32
      %dma_wait3A_291 = arith.constant 0 : i32
      %dma_wait3A_292 = tpu.memref_slice %arg3[%add3A, %run_scoped3A, %dma_wait3A_290, %dma_wait3A_291] : memref<32x2x40x125xi32, #tpu.memory_space<hbm>> -> memref<1x1x40x125xi32, #tpu.memory_space<hbm>>
      %dma_wait3A_293 = tpu.memref_squeeze %dma_wait3A_292 : memref<1x1x40x125xi32, #tpu.memory_space<hbm>> -> memref<40x125xi32, #tpu.memory_space<hbm>>
      tpu.wait_dma2 semaphore(%run_scoped3A_277 : memref<!tpu.dma_semaphore, #tpu.memory_space<semaphore_mem>>) src(%dma_wait3A_293 : memref<40x125xi32, #tpu.memory_space<hbm>>) dst(%arg6 : memref<40x125xi32, #tpu.memory_space<vmem>>)
      tpu.yield
    }) : () -> ()
    %run_scoped3A_229 = arith.constant 0 : i32
    "tpu.region"() ({
      %run_scoped3A_277 = tpu.sem_alloc : memref<!tpu.dma_semaphore, #tpu.memory_space<semaphore_mem>>
      %dma_start3A_278 = arith.constant 0 : i32
      %dma_start3A_279 = arith.constant 0 : i32
      %dma_start3A_280 = tpu.memref_slice %arg4[%add3A, %run_scoped3A_229, %dma_start3A_278, %dma_start3A_279] : memref<32x2x40x125xi32, #tpu.memory_space<hbm>> -> memref<1x1x40x125xi32, #tpu.memory_space<hbm>>
      %dma_start3A_281 = tpu.memref_squeeze %dma_start3A_280 : memref<1x1x40x125xi32, #tpu.memory_space<hbm>> -> memref<40x125xi32, #tpu.memory_space<hbm>>
      %dma_start3A_282 = arith.constant 0 : i32
      %dma_start3A_283 = arith.constant 0 : i32
      %dma_start3A_284 = tpu.memref_slice %arg4[%add3A, %run_scoped3A_229, %dma_start3A_282, %dma_start3A_283] : memref<32x2x40x125xi32, #tpu.memory_space<hbm>> -> memref<1x1x40x125xi32, #tpu.memory_space<hbm>>
      %dma_start3A_285 = tpu.memref_squeeze %dma_start3A_284 : memref<1x1x40x125xi32, #tpu.memory_space<hbm>> -> memref<40x125xi32, #tpu.memory_space<hbm>>
      tpu.enqueue_dma source(%dma_start3A_285 : memref<40x125xi32, #tpu.memory_space<hbm>>) target(%arg7 : memref<40x125xi32, #tpu.memory_space<vmem>>) target_semaphore(%run_scoped3A_277 : memref<!tpu.dma_semaphore, #tpu.memory_space<semaphore_mem>>)
      %dma_wait3A_286 = arith.constant 0 : i32
      %dma_wait3A_287 = arith.constant 0 : i32
      %dma_wait3A_288 = tpu.memref_slice %arg4[%add3A, %run_scoped3A_229, %dma_wait3A_286, %dma_wait3A_287] : memref<32x2x40x125xi32, #tpu.memory_space<hbm>> -> memref<1x1x40x125xi32, #tpu.memory_space<hbm>>
      %dma_wait3A_289 = tpu.memref_squeeze %dma_wait3A_288 : memref<1x1x40x125xi32, #tpu.memory_space<hbm>> -> memref<40x125xi32, #tpu.memory_space<hbm>>
      %dma_wait3A_290 = arith.constant 0 : i32
      %dma_wait3A_291 = arith.constant 0 : i32
      %dma_wait3A_292 = tpu.memref_slice %arg4[%add3A, %run_scoped3A_229, %dma_wait3A_290, %dma_wait3A_291] : memref<32x2x40x125xi32, #tpu.memory_space<hbm>> -> memref<1x1x40x125xi32, #tpu.memory_space<hbm>>
      %dma_wait3A_293 = tpu.memref_squeeze %dma_wait3A_292 : memref<1x1x40x125xi32, #tpu.memory_space<hbm>> -> memref<40x125xi32, #tpu.memory_space<hbm>>
      tpu.wait_dma2 semaphore(%run_scoped3A_277 : memref<!tpu.dma_semaphore, #tpu.memory_space<semaphore_mem>>) src(%dma_wait3A_293 : memref<40x125xi32, #tpu.memory_space<hbm>>) dst(%arg7 : memref<40x125xi32, #tpu.memory_space<vmem>>)
      tpu.yield
    }) : () -> ()
    %dma_start3A_230 = arith.constant 0 : i32
    %dma_start3A_231 = arith.constant 0 : i32
    %dma_start3A_232 = tpu.memref_slice %arg6[%dma_start3A_230, %dma_start3A_231] : memref<40x125xi32, #tpu.memory_space<vmem>> -> memref<1x125xi32, #tpu.memory_space<vmem>>
    %dma_start3A_233 = tpu.memref_squeeze %dma_start3A_232 : memref<1x125xi32, #tpu.memory_space<vmem>> -> memref<125xi32, #tpu.memory_space<vmem>>
    %dma_start3A_234 = arith.constant 0 : i32
    %dma_start3A_235 = arith.constant 0 : i32
    %dma_start3A_236 = tpu.memref_slice %arg2[%dma_start3A_234, %dma_start3A_235] : memref<10000x128xf32, #tpu.memory_space<hbm>> -> memref<10000x128xf32, #tpu.memory_space<hbm>>
    tpu.enqueue_indirect_dma source(%dma_start3A_236 : memref<10000x128xf32, #tpu.memory_space<hbm>>) target(%arg8 : memref<125x128xf32, #tpu.memory_space<vmem>>) offsets(%dma_start3A_233 : memref<125xi32, #tpu.memory_space<vmem>>) semaphore(%arg11 : memref<!tpu.dma_semaphore, #tpu.memory_space<semaphore_mem>>)
    %dma_start3A_237 = arith.constant 1 : i32
    %dma_start3A_238 = arith.constant 0 : i32
    %dma_start3A_239 = tpu.memref_slice %arg6[%dma_start3A_237, %dma_start3A_238] : memref<40x125xi32, #tpu.memory_space<vmem>> -> memref<1x125xi32, #tpu.memory_space<vmem>>
    %dma_start3A_240 = tpu.memref_squeeze %dma_start3A_239 : memref<1x125xi32, #tpu.memory_space<vmem>> -> memref<125xi32, #tpu.memory_space<vmem>>
    %dma_start3A_241 = arith.constant 0 : i32
    %dma_start3A_242 = arith.constant 0 : i32
    %dma_start3A_243 = tpu.memref_slice %arg2[%dma_start3A_241, %dma_start3A_242] : memref<10000x128xf32, #tpu.memory_space<hbm>> -> memref<10000x128xf32, #tpu.memory_space<hbm>>
    tpu.enqueue_indirect_dma source(%dma_start3A_243 : memref<10000x128xf32, #tpu.memory_space<hbm>>) target(%arg9 : memref<125x128xf32, #tpu.memory_space<vmem>>) offsets(%dma_start3A_240 : memref<125xi32, #tpu.memory_space<vmem>>) semaphore(%arg12 : memref<!tpu.dma_semaphore, #tpu.memory_space<semaphore_mem>>)
    %scan3A_244 = arith.constant 0 : i32
    %scan3A_245 = arith.constant 0 : i32
    %scan3A_246 = arith.constant 20 : i32
    %scan3A_247 = arith.addi %scan3A_245, %scan3A_246 : i32
    %scan3A_248 = arith.constant 1 : i32
    scf.for %scan3A_277 = %scan3A_245 to %scan3A_247 step %scan3A_248  : i32 {
      %mul3A_278 = arith.constant 2 : i32
      %mul3A_279 = arith.muli %mul3A_278, %scan3A_277 : i32
      %dma_wait3A_280 = arith.constant 0 : i32
      %dma_wait3A_281 = tpu.memref_slice %arg6[%mul3A_279, %dma_wait3A_280] : memref<40x125xi32, #tpu.memory_space<vmem>> -> memref<1x125xi32, #tpu.memory_space<vmem>>
      %dma_wait3A_282 = tpu.memref_squeeze %dma_wait3A_281 : memref<1x125xi32, #tpu.memory_space<vmem>> -> memref<125xi32, #tpu.memory_space<vmem>>
      %dma_wait3A_283 = arith.constant 0 : i32
      %dma_wait3A_284 = arith.constant 0 : i32
      %dma_wait3A_285 = tpu.memref_slice %arg2[%dma_wait3A_283, %dma_wait3A_284] : memref<10000x128xf32, #tpu.memory_space<hbm>> -> memref<10000x128xf32, #tpu.memory_space<hbm>>
      tpu.wait_indirect_dma semaphore(%arg11 : memref<!tpu.dma_semaphore, #tpu.memory_space<semaphore_mem>>) src(%dma_wait3A_285 : memref<10000x128xf32, #tpu.memory_space<hbm>>) dst(%arg8 : memref<125x128xf32, #tpu.memory_space<vmem>>)
      "tpu.region"() ({
        %run_scoped3A_307 = tpu.sem_alloc : memref<!tpu.dma_semaphore, #tpu.memory_space<semaphore_mem>>
        %dma_start3A_308 = arith.constant 0 : i32
        %dma_start3A_309 = tpu.memref_slice %arg7[%mul3A_279, %dma_start3A_308] : memref<40x125xi32, #tpu.memory_space<vmem>> -> memref<1x125xi32, #tpu.memory_space<vmem>>
        %dma_start3A_310 = tpu.memref_squeeze %dma_start3A_309 : memref<1x125xi32, #tpu.memory_space<vmem>> -> memref<125xi32, #tpu.memory_space<vmem>>
        %dma_start3A_311 = arith.constant 0 : i32
        %dma_start3A_312 = arith.constant 0 : i32
        %dma_start3A_313 = tpu.memref_slice %arg10[%dma_start3A_311, %dma_start3A_312] : memref<10240x128xf32, #tpu.memory_space<vmem_shared>> -> memref<10240x128xf32, #tpu.memory_space<vmem_shared>>
        tpu.enqueue_indirect_dma source(%arg8 : memref<125x128xf32, #tpu.memory_space<vmem>>) target(%dma_start3A_313 : memref<10240x128xf32, #tpu.memory_space<vmem_shared>>) offsets(%dma_start3A_310 : memref<125xi32, #tpu.memory_space<vmem>>) semaphore(%run_scoped3A_307 : memref<!tpu.dma_semaphore, #tpu.memory_space<semaphore_mem>>) {add = true}
        %dma_wait3A_314 = arith.constant 0 : i32
        %dma_wait3A_315 = tpu.memref_slice %arg7[%mul3A_279, %dma_wait3A_314] : memref<40x125xi32, #tpu.memory_space<vmem>> -> memref<1x125xi32, #tpu.memory_space<vmem>>
        %dma_wait3A_316 = tpu.memref_squeeze %dma_wait3A_315 : memref<1x125xi32, #tpu.memory_space<vmem>> -> memref<125xi32, #tpu.memory_space<vmem>>
        %dma_wait3A_317 = arith.constant 0 : i32
        %dma_wait3A_318 = arith.constant 0 : i32
        %dma_wait3A_319 = tpu.memref_slice %arg10[%dma_wait3A_317, %dma_wait3A_318] : memref<10240x128xf32, #tpu.memory_space<vmem_shared>> -> memref<10240x128xf32, #tpu.memory_space<vmem_shared>>
        tpu.wait_indirect_dma semaphore(%run_scoped3A_307 : memref<!tpu.dma_semaphore, #tpu.memory_space<semaphore_mem>>) src(%arg8 : memref<125x128xf32, #tpu.memory_space<vmem>>) dst(%dma_wait3A_319 : memref<10240x128xf32, #tpu.memory_space<vmem_shared>>)
        tpu.yield
      }) : () -> ()
      %add3A_286 = arith.constant 2 : i32
      %add3A_287 = arith.addi %mul3A_279, %add3A_286 : i32
      %lt3A = arith.constant 40 : i32
      %lt3A_288 = arith.cmpi slt, %add3A_287, %lt3A : i32
      %convert_element_type3A = arith.extui %lt3A_288 : i1 to i32
      %cond3A = arith.constant 0 : i32
      %cond3A_289 = arith.cmpi ne, %convert_element_type3A, %cond3A : i32
      scf.if %cond3A_289 {
        %add3A_307 = arith.constant 2 : i32
        %add3A_308 = arith.addi %mul3A_279, %add3A_307 : i32
        %dma_start3A_309 = arith.constant 0 : i32
        %dma_start3A_310 = tpu.memref_slice %arg6[%add3A_308, %dma_start3A_309] : memref<40x125xi32, #tpu.memory_space<vmem>> -> memref<1x125xi32, #tpu.memory_space<vmem>>
        %dma_start3A_311 = tpu.memref_squeeze %dma_start3A_310 : memref<1x125xi32, #tpu.memory_space<vmem>> -> memref<125xi32, #tpu.memory_space<vmem>>
        %dma_start3A_312 = arith.constant 0 : i32
        %dma_start3A_313 = arith.constant 0 : i32
        %dma_start3A_314 = tpu.memref_slice %arg2[%dma_start3A_312, %dma_start3A_313] : memref<10000x128xf32, #tpu.memory_space<hbm>> -> memref<10000x128xf32, #tpu.memory_space<hbm>>
        tpu.enqueue_indirect_dma source(%dma_start3A_314 : memref<10000x128xf32, #tpu.memory_space<hbm>>) target(%arg8 : memref<125x128xf32, #tpu.memory_space<vmem>>) offsets(%dma_start3A_311 : memref<125xi32, #tpu.memory_space<vmem>>) semaphore(%arg11 : memref<!tpu.dma_semaphore, #tpu.memory_space<semaphore_mem>>)
      } else {
      }
      %add3A_290 = arith.constant 1 : i32
      %add3A_291 = arith.addi %mul3A_279, %add3A_290 : i32
      %dma_wait3A_292 = arith.constant 0 : i32
      %dma_wait3A_293 = tpu.memref_slice %arg6[%add3A_291, %dma_wait3A_292] : memref<40x125xi32, #tpu.memory_space<vmem>> -> memref<1x125xi32, #tpu.memory_space<vmem>>
      %dma_wait3A_294 = tpu.memref_squeeze %dma_wait3A_293 : memref<1x125xi32, #tpu.memory_space<vmem>> -> memref<125xi32, #tpu.memory_space<vmem>>
      %dma_wait3A_295 = arith.constant 0 : i32
      %dma_wait3A_296 = arith.constant 0 : i32
      %dma_wait3A_297 = tpu.memref_slice %arg2[%dma_wait3A_295, %dma_wait3A_296] : memref<10000x128xf32, #tpu.memory_space<hbm>> -> memref<10000x128xf32, #tpu.memory_space<hbm>>
      tpu.wait_indirect_dma semaphore(%arg12 : memref<!tpu.dma_semaphore, #tpu.memory_space<semaphore_mem>>) src(%dma_wait3A_297 : memref<10000x128xf32, #tpu.memory_space<hbm>>) dst(%arg9 : memref<125x128xf32, #tpu.memory_space<vmem>>)
      %add3A_298 = arith.constant 1 : i32
      %add3A_299 = arith.addi %mul3A_279, %add3A_298 : i32
      "tpu.region"() ({
        %run_scoped3A_307 = tpu.sem_alloc : memref<!tpu.dma_semaphore, #tpu.memory_space<semaphore_mem>>
        %dma_start3A_308 = arith.constant 0 : i32
        %dma_start3A_309 = tpu.memref_slice %arg7[%add3A_299, %dma_start3A_308] : memref<40x125xi32, #tpu.memory_space<vmem>> -> memref<1x125xi32, #tpu.memory_space<vmem>>
        %dma_start3A_310 = tpu.memref_squeeze %dma_start3A_309 : memref<1x125xi32, #tpu.memory_space<vmem>> -> memref<125xi32, #tpu.memory_space<vmem>>
        %dma_start3A_311 = arith.constant 0 : i32
        %dma_start3A_312 = arith.constant 0 : i32
        %dma_start3A_313 = tpu.memref_slice %arg10[%dma_start3A_311, %dma_start3A_312] : memref<10240x128xf32, #tpu.memory_space<vmem_shared>> -> memref<10240x128xf32, #tpu.memory_space<vmem_shared>>
        tpu.enqueue_indirect_dma source(%arg9 : memref<125x128xf32, #tpu.memory_space<vmem>>) target(%dma_start3A_313 : memref<10240x128xf32, #tpu.memory_space<vmem_shared>>) offsets(%dma_start3A_310 : memref<125xi32, #tpu.memory_space<vmem>>) semaphore(%run_scoped3A_307 : memref<!tpu.dma_semaphore, #tpu.memory_space<semaphore_mem>>) {add = true}
        %dma_wait3A_314 = arith.constant 0 : i32
        %dma_wait3A_315 = tpu.memref_slice %arg7[%add3A_299, %dma_wait3A_314] : memref<40x125xi32, #tpu.memory_space<vmem>> -> memref<1x125xi32, #tpu.memory_space<vmem>>
        %dma_wait3A_316 = tpu.memref_squeeze %dma_wait3A_315 : memref<1x125xi32, #tpu.memory_space<vmem>> -> memref<125xi32, #tpu.memory_space<vmem>>
        %dma_wait3A_317 = arith.constant 0 : i32
        %dma_wait3A_318 = arith.constant 0 : i32
        %dma_wait3A_319 = tpu.memref_slice %arg10[%dma_wait3A_317, %dma_wait3A_318] : memref<10240x128xf32, #tpu.memory_space<vmem_shared>> -> memref<10240x128xf32, #tpu.memory_space<vmem_shared>>
        tpu.wait_indirect_dma semaphore(%run_scoped3A_307 : memref<!tpu.dma_semaphore, #tpu.memory_space<semaphore_mem>>) src(%arg9 : memref<125x128xf32, #tpu.memory_space<vmem>>) dst(%dma_wait3A_319 : memref<10240x128xf32, #tpu.memory_space<vmem_shared>>)
        tpu.yield
      }) : () -> ()
      %add3A_300 = arith.constant 3 : i32
      %add3A_301 = arith.addi %mul3A_279, %add3A_300 : i32
      %lt3A_302 = arith.constant 40 : i32
      %lt3A_303 = arith.cmpi slt, %add3A_301, %lt3A_302 : i32
      %convert_element_type3A_304 = arith.extui %lt3A_303 : i1 to i32
      %cond3A_305 = arith.constant 0 : i32
      %cond3A_306 = arith.cmpi ne, %convert_element_type3A_304, %cond3A_305 : i32
      scf.if %cond3A_306 {
        %add3A_307 = arith.constant 3 : i32
        %add3A_308 = arith.addi %mul3A_279, %add3A_307 : i32
        %dma_start3A_309 = arith.constant 0 : i32
        %dma_start3A_310 = tpu.memref_slice %arg6[%add3A_308, %dma_start3A_309] : memref<40x125xi32, #tpu.memory_space<vmem>> -> memref<1x125xi32, #tpu.memory_space<vmem>>
        %dma_start3A_311 = tpu.memref_squeeze %dma_start3A_310 : memref<1x125xi32, #tpu.memory_space<vmem>> -> memref<125xi32, #tpu.memory_space<vmem>>
        %dma_start3A_312 = arith.constant 0 : i32
        %dma_start3A_313 = arith.constant 0 : i32
        %dma_start3A_314 = tpu.memref_slice %arg2[%dma_start3A_312, %dma_start3A_313] : memref<10000x128xf32, #tpu.memory_space<hbm>> -> memref<10000x128xf32, #tpu.memory_space<hbm>>
        tpu.enqueue_indirect_dma source(%dma_start3A_314 : memref<10000x128xf32, #tpu.memory_space<hbm>>) target(%arg9 : memref<125x128xf32, #tpu.memory_space<vmem>>) offsets(%dma_start3A_311 : memref<125xi32, #tpu.memory_space<vmem>>) semaphore(%arg12 : memref<!tpu.dma_semaphore, #tpu.memory_space<semaphore_mem>>)
      } else {
      }
    }
    %scan3A_249 = arith.constant 20 : i32
    %run_scoped3A_250 = arith.constant 1 : i32
    "tpu.region"() ({
      %run_scoped3A_277 = tpu.sem_alloc : memref<!tpu.dma_semaphore, #tpu.memory_space<semaphore_mem>>
      %dma_start3A_278 = arith.constant 0 : i32
      %dma_start3A_279 = arith.constant 0 : i32
      %dma_start3A_280 = tpu.memref_slice %arg3[%add3A, %run_scoped3A_250, %dma_start3A_278, %dma_start3A_279] : memref<32x2x40x125xi32, #tpu.memory_space<hbm>> -> memref<1x1x40x125xi32, #tpu.memory_space<hbm>>
      %dma_start3A_281 = tpu.memref_squeeze %dma_start3A_280 : memref<1x1x40x125xi32, #tpu.memory_space<hbm>> -> memref<40x125xi32, #tpu.memory_space<hbm>>
      %dma_start3A_282 = arith.constant 0 : i32
      %dma_start3A_283 = arith.constant 0 : i32
      %dma_start3A_284 = tpu.memref_slice %arg3[%add3A, %run_scoped3A_250, %dma_start3A_282, %dma_start3A_283] : memref<32x2x40x125xi32, #tpu.memory_space<hbm>> -> memref<1x1x40x125xi32, #tpu.memory_space<hbm>>
      %dma_start3A_285 = tpu.memref_squeeze %dma_start3A_284 : memref<1x1x40x125xi32, #tpu.memory_space<hbm>> -> memref<40x125xi32, #tpu.memory_space<hbm>>
      tpu.enqueue_dma source(%dma_start3A_285 : memref<40x125xi32, #tpu.memory_space<hbm>>) target(%arg6 : memref<40x125xi32, #tpu.memory_space<vmem>>) target_semaphore(%run_scoped3A_277 : memref<!tpu.dma_semaphore, #tpu.memory_space<semaphore_mem>>)
      %dma_wait3A_286 = arith.constant 0 : i32
      %dma_wait3A_287 = arith.constant 0 : i32
      %dma_wait3A_288 = tpu.memref_slice %arg3[%add3A, %run_scoped3A_250, %dma_wait3A_286, %dma_wait3A_287] : memref<32x2x40x125xi32, #tpu.memory_space<hbm>> -> memref<1x1x40x125xi32, #tpu.memory_space<hbm>>
      %dma_wait3A_289 = tpu.memref_squeeze %dma_wait3A_288 : memref<1x1x40x125xi32, #tpu.memory_space<hbm>> -> memref<40x125xi32, #tpu.memory_space<hbm>>
      %dma_wait3A_290 = arith.constant 0 : i32
      %dma_wait3A_291 = arith.constant 0 : i32
      %dma_wait3A_292 = tpu.memref_slice %arg3[%add3A, %run_scoped3A_250, %dma_wait3A_290, %dma_wait3A_291] : memref<32x2x40x125xi32, #tpu.memory_space<hbm>> -> memref<1x1x40x125xi32, #tpu.memory_space<hbm>>
      %dma_wait3A_293 = tpu.memref_squeeze %dma_wait3A_292 : memref<1x1x40x125xi32, #tpu.memory_space<hbm>> -> memref<40x125xi32, #tpu.memory_space<hbm>>
      tpu.wait_dma2 semaphore(%run_scoped3A_277 : memref<!tpu.dma_semaphore, #tpu.memory_space<semaphore_mem>>) src(%dma_wait3A_293 : memref<40x125xi32, #tpu.memory_space<hbm>>) dst(%arg6 : memref<40x125xi32, #tpu.memory_space<vmem>>)
      tpu.yield
    }) : () -> ()
    %run_scoped3A_251 = arith.constant 1 : i32
    "tpu.region"() ({
      %run_scoped3A_277 = tpu.sem_alloc : memref<!tpu.dma_semaphore, #tpu.memory_space<semaphore_mem>>
      %dma_start3A_278 = arith.constant 0 : i32
      %dma_start3A_279 = arith.constant 0 : i32
      %dma_start3A_280 = tpu.memref_slice %arg4[%add3A, %run_scoped3A_251, %dma_start3A_278, %dma_start3A_279] : memref<32x2x40x125xi32, #tpu.memory_space<hbm>> -> memref<1x1x40x125xi32, #tpu.memory_space<hbm>>
      %dma_start3A_281 = tpu.memref_squeeze %dma_start3A_280 : memref<1x1x40x125xi32, #tpu.memory_space<hbm>> -> memref<40x125xi32, #tpu.memory_space<hbm>>
      %dma_start3A_282 = arith.constant 0 : i32
      %dma_start3A_283 = arith.constant 0 : i32
      %dma_start3A_284 = tpu.memref_slice %arg4[%add3A, %run_scoped3A_251, %dma_start3A_282, %dma_start3A_283] : memref<32x2x40x125xi32, #tpu.memory_space<hbm>> -> memref<1x1x40x125xi32, #tpu.memory_space<hbm>>
      %dma_start3A_285 = tpu.memref_squeeze %dma_start3A_284 : memref<1x1x40x125xi32, #tpu.memory_space<hbm>> -> memref<40x125xi32, #tpu.memory_space<hbm>>
      tpu.enqueue_dma source(%dma_start3A_285 : memref<40x125xi32, #tpu.memory_space<hbm>>) target(%arg7 : memref<40x125xi32, #tpu.memory_space<vmem>>) target_semaphore(%run_scoped3A_277 : memref<!tpu.dma_semaphore, #tpu.memory_space<semaphore_mem>>)
      %dma_wait3A_286 = arith.constant 0 : i32
      %dma_wait3A_287 = arith.constant 0 : i32
      %dma_wait3A_288 = tpu.memref_slice %arg4[%add3A, %run_scoped3A_251, %dma_wait3A_286, %dma_wait3A_287] : memref<32x2x40x125xi32, #tpu.memory_space<hbm>> -> memref<1x1x40x125xi32, #tpu.memory_space<hbm>>
      %dma_wait3A_289 = tpu.memref_squeeze %dma_wait3A_288 : memref<1x1x40x125xi32, #tpu.memory_space<hbm>> -> memref<40x125xi32, #tpu.memory_space<hbm>>
      %dma_wait3A_290 = arith.constant 0 : i32
      %dma_wait3A_291 = arith.constant 0 : i32
      %dma_wait3A_292 = tpu.memref_slice %arg4[%add3A, %run_scoped3A_251, %dma_wait3A_290, %dma_wait3A_291] : memref<32x2x40x125xi32, #tpu.memory_space<hbm>> -> memref<1x1x40x125xi32, #tpu.memory_space<hbm>>
      %dma_wait3A_293 = tpu.memref_squeeze %dma_wait3A_292 : memref<1x1x40x125xi32, #tpu.memory_space<hbm>> -> memref<40x125xi32, #tpu.memory_space<hbm>>
      tpu.wait_dma2 semaphore(%run_scoped3A_277 : memref<!tpu.dma_semaphore, #tpu.memory_space<semaphore_mem>>) src(%dma_wait3A_293 : memref<40x125xi32, #tpu.memory_space<hbm>>) dst(%arg7 : memref<40x125xi32, #tpu.memory_space<vmem>>)
      tpu.yield
    }) : () -> ()
    %dma_start3A_252 = arith.constant 0 : i32
    %dma_start3A_253 = arith.constant 0 : i32
    %dma_start3A_254 = tpu.memref_slice %arg6[%dma_start3A_252, %dma_start3A_253] : memref<40x125xi32, #tpu.memory_space<vmem>> -> memref<1x125xi32, #tpu.memory_space<vmem>>
    %dma_start3A_255 = tpu.memref_squeeze %dma_start3A_254 : memref<1x125xi32, #tpu.memory_space<vmem>> -> memref<125xi32, #tpu.memory_space<vmem>>
    %dma_start3A_256 = arith.constant 0 : i32
    %dma_start3A_257 = arith.constant 0 : i32
    %dma_start3A_258 = tpu.memref_slice %arg2[%dma_start3A_256, %dma_start3A_257] : memref<10000x128xf32, #tpu.memory_space<hbm>> -> memref<10000x128xf32, #tpu.memory_space<hbm>>
    tpu.enqueue_indirect_dma source(%dma_start3A_258 : memref<10000x128xf32, #tpu.memory_space<hbm>>) target(%arg8 : memref<125x128xf32, #tpu.memory_space<vmem>>) offsets(%dma_start3A_255 : memref<125xi32, #tpu.memory_space<vmem>>) semaphore(%arg11 : memref<!tpu.dma_semaphore, #tpu.memory_space<semaphore_mem>>)
    %dma_start3A_259 = arith.constant 1 : i32
    %dma_start3A_260 = arith.constant 0 : i32
    %dma_start3A_261 = tpu.memref_slice %arg6[%dma_start3A_259, %dma_start3A_260] : memref<40x125xi32, #tpu.memory_space<vmem>> -> memref<1x125xi32, #tpu.memory_space<vmem>>
    %dma_start3A_262 = tpu.memref_squeeze %dma_start3A_261 : memref<1x125xi32, #tpu.memory_space<vmem>> -> memref<125xi32, #tpu.memory_space<vmem>>
    %dma_start3A_263 = arith.constant 0 : i32
    %dma_start3A_264 = arith.constant 0 : i32
    %dma_start3A_265 = tpu.memref_slice %arg2[%dma_start3A_263, %dma_start3A_264] : memref<10000x128xf32, #tpu.memory_space<hbm>> -> memref<10000x128xf32, #tpu.memory_space<hbm>>
    tpu.enqueue_indirect_dma source(%dma_start3A_265 : memref<10000x128xf32, #tpu.memory_space<hbm>>) target(%arg9 : memref<125x128xf32, #tpu.memory_space<vmem>>) offsets(%dma_start3A_262 : memref<125xi32, #tpu.memory_space<vmem>>) semaphore(%arg12 : memref<!tpu.dma_semaphore, #tpu.memory_space<semaphore_mem>>)
    %scan3A_266 = arith.constant 0 : i32
    %scan3A_267 = arith.constant 0 : i32
    %scan3A_268 = arith.constant 20 : i32
    %scan3A_269 = arith.addi %scan3A_267, %scan3A_268 : i32
    %scan3A_270 = arith.constant 1 : i32
    scf.for %scan3A_277 = %scan3A_267 to %scan3A_269 step %scan3A_270  : i32 {
      %mul3A_278 = arith.constant 2 : i32
      %mul3A_279 = arith.muli %mul3A_278, %scan3A_277 : i32
      %dma_wait3A_280 = arith.constant 0 : i32
      %dma_wait3A_281 = tpu.memref_slice %arg6[%mul3A_279, %dma_wait3A_280] : memref<40x125xi32, #tpu.memory_space<vmem>> -> memref<1x125xi32, #tpu.memory_space<vmem>>
      %dma_wait3A_282 = tpu.memref_squeeze %dma_wait3A_281 : memref<1x125xi32, #tpu.memory_space<vmem>> -> memref<125xi32, #tpu.memory_space<vmem>>
      %dma_wait3A_283 = arith.constant 0 : i32
      %dma_wait3A_284 = arith.constant 0 : i32
      %dma_wait3A_285 = tpu.memref_slice %arg2[%dma_wait3A_283, %dma_wait3A_284] : memref<10000x128xf32, #tpu.memory_space<hbm>> -> memref<10000x128xf32, #tpu.memory_space<hbm>>
      tpu.wait_indirect_dma semaphore(%arg11 : memref<!tpu.dma_semaphore, #tpu.memory_space<semaphore_mem>>) src(%dma_wait3A_285 : memref<10000x128xf32, #tpu.memory_space<hbm>>) dst(%arg8 : memref<125x128xf32, #tpu.memory_space<vmem>>)
      "tpu.region"() ({
        %run_scoped3A_307 = tpu.sem_alloc : memref<!tpu.dma_semaphore, #tpu.memory_space<semaphore_mem>>
        %dma_start3A_308 = arith.constant 0 : i32
        %dma_start3A_309 = tpu.memref_slice %arg7[%mul3A_279, %dma_start3A_308] : memref<40x125xi32, #tpu.memory_space<vmem>> -> memref<1x125xi32, #tpu.memory_space<vmem>>
        %dma_start3A_310 = tpu.memref_squeeze %dma_start3A_309 : memref<1x125xi32, #tpu.memory_space<vmem>> -> memref<125xi32, #tpu.memory_space<vmem>>
        %dma_start3A_311 = arith.constant 0 : i32
        %dma_start3A_312 = arith.constant 0 : i32
        %dma_start3A_313 = tpu.memref_slice %arg10[%dma_start3A_311, %dma_start3A_312] : memref<10240x128xf32, #tpu.memory_space<vmem_shared>> -> memref<10240x128xf32, #tpu.memory_space<vmem_shared>>
        tpu.enqueue_indirect_dma source(%arg8 : memref<125x128xf32, #tpu.memory_space<vmem>>) target(%dma_start3A_313 : memref<10240x128xf32, #tpu.memory_space<vmem_shared>>) offsets(%dma_start3A_310 : memref<125xi32, #tpu.memory_space<vmem>>) semaphore(%run_scoped3A_307 : memref<!tpu.dma_semaphore, #tpu.memory_space<semaphore_mem>>) {add = true}
        %dma_wait3A_314 = arith.constant 0 : i32
        %dma_wait3A_315 = tpu.memref_slice %arg7[%mul3A_279, %dma_wait3A_314] : memref<40x125xi32, #tpu.memory_space<vmem>> -> memref<1x125xi32, #tpu.memory_space<vmem>>
        %dma_wait3A_316 = tpu.memref_squeeze %dma_wait3A_315 : memref<1x125xi32, #tpu.memory_space<vmem>> -> memref<125xi32, #tpu.memory_space<vmem>>
        %dma_wait3A_317 = arith.constant 0 : i32
        %dma_wait3A_318 = arith.constant 0 : i32
        %dma_wait3A_319 = tpu.memref_slice %arg10[%dma_wait3A_317, %dma_wait3A_318] : memref<10240x128xf32, #tpu.memory_space<vmem_shared>> -> memref<10240x128xf32, #tpu.memory_space<vmem_shared>>
        tpu.wait_indirect_dma semaphore(%run_scoped3A_307 : memref<!tpu.dma_semaphore, #tpu.memory_space<semaphore_mem>>) src(%arg8 : memref<125x128xf32, #tpu.memory_space<vmem>>) dst(%dma_wait3A_319 : memref<10240x128xf32, #tpu.memory_space<vmem_shared>>)
        tpu.yield
      }) : () -> ()
      %add3A_286 = arith.constant 2 : i32
      %add3A_287 = arith.addi %mul3A_279, %add3A_286 : i32
      %lt3A = arith.constant 40 : i32
      %lt3A_288 = arith.cmpi slt, %add3A_287, %lt3A : i32
      %convert_element_type3A = arith.extui %lt3A_288 : i1 to i32
      %cond3A = arith.constant 0 : i32
      %cond3A_289 = arith.cmpi ne, %convert_element_type3A, %cond3A : i32
      scf.if %cond3A_289 {
        %add3A_307 = arith.constant 2 : i32
        %add3A_308 = arith.addi %mul3A_279, %add3A_307 : i32
        %dma_start3A_309 = arith.constant 0 : i32
        %dma_start3A_310 = tpu.memref_slice %arg6[%add3A_308, %dma_start3A_309] : memref<40x125xi32, #tpu.memory_space<vmem>> -> memref<1x125xi32, #tpu.memory_space<vmem>>
        %dma_start3A_311 = tpu.memref_squeeze %dma_start3A_310 : memref<1x125xi32, #tpu.memory_space<vmem>> -> memref<125xi32, #tpu.memory_space<vmem>>
        %dma_start3A_312 = arith.constant 0 : i32
        %dma_start3A_313 = arith.constant 0 : i32
        %dma_start3A_314 = tpu.memref_slice %arg2[%dma_start3A_312, %dma_start3A_313] : memref<10000x128xf32, #tpu.memory_space<hbm>> -> memref<10000x128xf32, #tpu.memory_space<hbm>>
        tpu.enqueue_indirect_dma source(%dma_start3A_314 : memref<10000x128xf32, #tpu.memory_space<hbm>>) target(%arg8 : memref<125x128xf32, #tpu.memory_space<vmem>>) offsets(%dma_start3A_311 : memref<125xi32, #tpu.memory_space<vmem>>) semaphore(%arg11 : memref<!tpu.dma_semaphore, #tpu.memory_space<semaphore_mem>>)
      } else {
      }
      %add3A_290 = arith.constant 1 : i32
      %add3A_291 = arith.addi %mul3A_279, %add3A_290 : i32
      %dma_wait3A_292 = arith.constant 0 : i32
      %dma_wait3A_293 = tpu.memref_slice %arg6[%add3A_291, %dma_wait3A_292] : memref<40x125xi32, #tpu.memory_space<vmem>> -> memref<1x125xi32, #tpu.memory_space<vmem>>
      %dma_wait3A_294 = tpu.memref_squeeze %dma_wait3A_293 : memref<1x125xi32, #tpu.memory_space<vmem>> -> memref<125xi32, #tpu.memory_space<vmem>>
      %dma_wait3A_295 = arith.constant 0 : i32
      %dma_wait3A_296 = arith.constant 0 : i32
      %dma_wait3A_297 = tpu.memref_slice %arg2[%dma_wait3A_295, %dma_wait3A_296] : memref<10000x128xf32, #tpu.memory_space<hbm>> -> memref<10000x128xf32, #tpu.memory_space<hbm>>
      tpu.wait_indirect_dma semaphore(%arg12 : memref<!tpu.dma_semaphore, #tpu.memory_space<semaphore_mem>>) src(%dma_wait3A_297 : memref<10000x128xf32, #tpu.memory_space<hbm>>) dst(%arg9 : memref<125x128xf32, #tpu.memory_space<vmem>>)
      %add3A_298 = arith.constant 1 : i32
      %add3A_299 = arith.addi %mul3A_279, %add3A_298 : i32
      "tpu.region"() ({
        %run_scoped3A_307 = tpu.sem_alloc : memref<!tpu.dma_semaphore, #tpu.memory_space<semaphore_mem>>
        %dma_start3A_308 = arith.constant 0 : i32
        %dma_start3A_309 = tpu.memref_slice %arg7[%add3A_299, %dma_start3A_308] : memref<40x125xi32, #tpu.memory_space<vmem>> -> memref<1x125xi32, #tpu.memory_space<vmem>>
        %dma_start3A_310 = tpu.memref_squeeze %dma_start3A_309 : memref<1x125xi32, #tpu.memory_space<vmem>> -> memref<125xi32, #tpu.memory_space<vmem>>
        %dma_start3A_311 = arith.constant 0 : i32
        %dma_start3A_312 = arith.constant 0 : i32
        %dma_start3A_313 = tpu.memref_slice %arg10[%dma_start3A_311, %dma_start3A_312] : memref<10240x128xf32, #tpu.memory_space<vmem_shared>> -> memref<10240x128xf32, #tpu.memory_space<vmem_shared>>
        tpu.enqueue_indirect_dma source(%arg9 : memref<125x128xf32, #tpu.memory_space<vmem>>) target(%dma_start3A_313 : memref<10240x128xf32, #tpu.memory_space<vmem_shared>>) offsets(%dma_start3A_310 : memref<125xi32, #tpu.memory_space<vmem>>) semaphore(%run_scoped3A_307 : memref<!tpu.dma_semaphore, #tpu.memory_space<semaphore_mem>>) {add = true}
        %dma_wait3A_314 = arith.constant 0 : i32
        %dma_wait3A_315 = tpu.memref_slice %arg7[%add3A_299, %dma_wait3A_314] : memref<40x125xi32, #tpu.memory_space<vmem>> -> memref<1x125xi32, #tpu.memory_space<vmem>>
        %dma_wait3A_316 = tpu.memref_squeeze %dma_wait3A_315 : memref<1x125xi32, #tpu.memory_space<vmem>> -> memref<125xi32, #tpu.memory_space<vmem>>
        %dma_wait3A_317 = arith.constant 0 : i32
        %dma_wait3A_318 = arith.constant 0 : i32
        %dma_wait3A_319 = tpu.memref_slice %arg10[%dma_wait3A_317, %dma_wait3A_318] : memref<10240x128xf32, #tpu.memory_space<vmem_shared>> -> memref<10240x128xf32, #tpu.memory_space<vmem_shared>>
        tpu.wait_indirect_dma semaphore(%run_scoped3A_307 : memref<!tpu.dma_semaphore, #tpu.memory_space<semaphore_mem>>) src(%arg9 : memref<125x128xf32, #tpu.memory_space<vmem>>) dst(%dma_wait3A_319 : memref<10240x128xf32, #tpu.memory_space<vmem_shared>>)
        tpu.yield
      }) : () -> ()
      %add3A_300 = arith.constant 3 : i32
      %add3A_301 = arith.addi %mul3A_279, %add3A_300 : i32
      %lt3A_302 = arith.constant 40 : i32
      %lt3A_303 = arith.cmpi slt, %add3A_301, %lt3A_302 : i32
      %convert_element_type3A_304 = arith.extui %lt3A_303 : i1 to i32
      %cond3A_305 = arith.constant 0 : i32
      %cond3A_306 = arith.cmpi ne, %convert_element_type3A_304, %cond3A_305 : i32
      scf.if %cond3A_306 {
        %add3A_307 = arith.constant 3 : i32
        %add3A_308 = arith.addi %mul3A_279, %add3A_307 : i32
        %dma_start3A_309 = arith.constant 0 : i32
        %dma_start3A_310 = tpu.memref_slice %arg6[%add3A_308, %dma_start3A_309] : memref<40x125xi32, #tpu.memory_space<vmem>> -> memref<1x125xi32, #tpu.memory_space<vmem>>
        %dma_start3A_311 = tpu.memref_squeeze %dma_start3A_310 : memref<1x125xi32, #tpu.memory_space<vmem>> -> memref<125xi32, #tpu.memory_space<vmem>>
        %dma_start3A_312 = arith.constant 0 : i32
        %dma_start3A_313 = arith.constant 0 : i32
        %dma_start3A_314 = tpu.memref_slice %arg2[%dma_start3A_312, %dma_start3A_313] : memref<10000x128xf32, #tpu.memory_space<hbm>> -> memref<10000x128xf32, #tpu.memory_space<hbm>>
        tpu.enqueue_indirect_dma source(%dma_start3A_314 : memref<10000x128xf32, #tpu.memory_space<hbm>>) target(%arg9 : memref<125x128xf32, #tpu.memory_space<vmem>>) offsets(%dma_start3A_311 : memref<125xi32, #tpu.memory_space<vmem>>) semaphore(%arg12 : memref<!tpu.dma_semaphore, #tpu.memory_space<semaphore_mem>>)
      } else {
      }
    }
    %scan3A_271 = arith.constant 20 : i32
    %barrier3A_272 = arith.constant 0 : index
    tpu.barrier barrier_id(%barrier3A_272)
    %mul3A_273 = arith.constant 640 : i32
    %mul3A_274 = arith.muli %arg1, %mul3A_273 : i32
    %mul3A_275 = arith.constant 640 : i32
    %mul3A_276 = arith.muli %arg1, %mul3A_275 : i32
    "tpu.region"() ({
      %run_scoped3A_277 = tpu.sem_alloc : memref<!tpu.dma_semaphore, #tpu.memory_space<semaphore_mem>>
      %dma_start3A_278 = arith.constant 0 : i32
      %dma_start3A_279 = tpu.memref_slice %arg5[%arg0, %mul3A_276, %dma_start3A_278] : memref<2x10240x128xf32, #tpu.memory_space<hbm>> -> memref<1x640x128xf32, #tpu.memory_space<hbm>>
      %dma_start3A_280 = tpu.memref_squeeze %dma_start3A_279 : memref<1x640x128xf32, #tpu.memory_space<hbm>> -> memref<640x128xf32, #tpu.memory_space<hbm>>
      %dma_start3A_281 = arith.constant 0 : i32
      %dma_start3A_282 = tpu.memref_slice %arg10[%mul3A_274, %dma_start3A_281] : memref<10240x128xf32, #tpu.memory_space<vmem_shared>> -> memref<640x128xf32, #tpu.memory_space<vmem_shared>>
      tpu.enqueue_dma source(%dma_start3A_282 : memref<640x128xf32, #tpu.memory_space<vmem_shared>>) target(%dma_start3A_280 : memref<640x128xf32, #tpu.memory_space<hbm>>) target_semaphore(%run_scoped3A_277 : memref<!tpu.dma_semaphore, #tpu.memory_space<semaphore_mem>>)
      %dma_wait3A_283 = arith.constant 0 : i32
      %dma_wait3A_284 = tpu.memref_slice %arg5[%arg0, %mul3A_276, %dma_wait3A_283] : memref<2x10240x128xf32, #tpu.memory_space<hbm>> -> memref<1x640x128xf32, #tpu.memory_space<hbm>>
      %dma_wait3A_285 = tpu.memref_squeeze %dma_wait3A_284 : memref<1x640x128xf32, #tpu.memory_space<hbm>> -> memref<640x128xf32, #tpu.memory_space<hbm>>
      %dma_wait3A_286 = arith.constant 0 : i32
      %dma_wait3A_287 = tpu.memref_slice %arg10[%mul3A_274, %dma_wait3A_286] : memref<10240x128xf32, #tpu.memory_space<vmem_shared>> -> memref<640x128xf32, #tpu.memory_space<vmem_shared>>
      tpu.wait_dma2 semaphore(%run_scoped3A_277 : memref<!tpu.dma_semaphore, #tpu.memory_space<semaphore_mem>>) src(%dma_wait3A_287 : memref<640x128xf32, #tpu.memory_space<vmem_shared>>) dst(%dma_wait3A_285 : memref<640x128xf32, #tpu.memory_space<hbm>>)
      tpu.yield
    }) : () -> ()
    return
  }
}

module attributes {stable_mosaic.version = 14 : i64} {
  func.func @_mlp_body(%arg0: i32, %arg1: memref<2000x128xf32, #tpu.memory_space<vmem>>, %arg2: memref<2000x128xf32, #tpu.memory_space<vmem>>, %arg3: memref<128x64xf32, #tpu.memory_space<vmem>>, %arg4: memref<1x64xf32, #tpu.memory_space<vmem>>, %arg5: memref<64x128xf32, #tpu.memory_space<vmem>>, %arg6: memref<1x128xf32, #tpu.memory_space<vmem>>, %arg7: memref<2000x128xf32, #tpu.memory_space<vmem>>) attributes {dimension_semantics = [#tpu.dimension_semantics<arbitrary>], iteration_bounds = array<i64: 5>, scalar_prefetch = 0 : i64, scratch_operands = 0 : i64, tpu.core_type = #tpu.core_type<tc>, window_params = [{transform_indices = @transform_0, window_bounds = array<i64: 2000, 128>}, {transform_indices = @transform_1, window_bounds = array<i64: 2000, 128>}, {pipeline_mode = #tpu.pipeline_mode<synchronous>, transform_indices = @transform_2, window_bounds = array<i64: 128, 64>}, {pipeline_mode = #tpu.pipeline_mode<synchronous>, transform_indices = @transform_3, window_bounds = array<i64: 1, 64>}, {pipeline_mode = #tpu.pipeline_mode<synchronous>, transform_indices = @transform_4, window_bounds = array<i64: 64, 128>}, {pipeline_mode = #tpu.pipeline_mode<synchronous>, transform_indices = @transform_5, window_bounds = array<i64: 1, 128>}, {transform_indices = @transform_6, window_bounds = array<i64: 2000, 128>}]} {
    %get3A = arith.constant 0 : index
    %get3A_0 = arith.constant 0 : index
    %get3A_1 = vector.load %arg1[%get3A, %get3A_0] : memref<2000x128xf32, #tpu.memory_space<vmem>>, vector<2000x128xf32>
    %get3A_2 = arith.constant 0 : index
    %get3A_3 = arith.constant 0 : index
    %get3A_4 = vector.load %arg2[%get3A_2, %get3A_3] : memref<2000x128xf32, #tpu.memory_space<vmem>>, vector<2000x128xf32>
    %add3A = arith.addf %get3A_1, %get3A_4 : vector<2000x128xf32>
    %get3A_5 = arith.constant 0 : index
    %get3A_6 = arith.constant 0 : index
    %get3A_7 = vector.load %arg3[%get3A_5, %get3A_6] : memref<128x64xf32, #tpu.memory_space<vmem>>, vector<128x64xf32>
    %dot_general3A = arith.constant dense<0.000000e+00> : vector<2000x64xf32>
    %dot_general3A_8 = tpu.matmul %add3A, %get3A_7, %dot_general3A {dimension_numbers = #tpu.dot_dimension_numbers<[1], [0], [0], [1], [0, 0, 1, 1], [], []>, transpose_lhs_hint = false} : vector<2000x128xf32>, vector<128x64xf32>, vector<2000x64xf32> -> vector<2000x64xf32>
    %get3A_9 = arith.constant 0 : index
    %get3A_10 = arith.constant 0 : index
    %get3A_11 = vector.load %arg4[%get3A_9, %get3A_10] : memref<1x64xf32, #tpu.memory_space<vmem>>, vector<1x64xf32>
    %add3A_12 = vector.broadcast %get3A_11 : vector<1x64xf32> to vector<2000x64xf32>
    %add3A_13 = arith.addf %dot_general3A_8, %add3A_12 : vector<2000x64xf32>
    %max3A = arith.constant 0.000000e+00 : f32
    %max3A_14 = vector.broadcast %max3A : f32 to vector<2000x64xf32>
    %max3A_15 = arith.maximumf %add3A_13, %max3A_14 : vector<2000x64xf32>
    %get3A_16 = arith.constant 0 : index
    %get3A_17 = arith.constant 0 : index
    %get3A_18 = vector.load %arg5[%get3A_16, %get3A_17] : memref<64x128xf32, #tpu.memory_space<vmem>>, vector<64x128xf32>
    %dot_general3A_19 = arith.constant dense<0.000000e+00> : vector<2000x128xf32>
    %dot_general3A_20 = tpu.matmul %max3A_15, %get3A_18, %dot_general3A_19 {dimension_numbers = #tpu.dot_dimension_numbers<[1], [0], [0], [1], [0, 0, 1, 1], [], []>, transpose_lhs_hint = false} : vector<2000x64xf32>, vector<64x128xf32>, vector<2000x128xf32> -> vector<2000x128xf32>
    %get3A_21 = arith.constant 0 : index
    %get3A_22 = arith.constant 0 : index
    %get3A_23 = vector.load %arg6[%get3A_21, %get3A_22] : memref<1x128xf32, #tpu.memory_space<vmem>>, vector<1x128xf32>
    %add3A_24 = vector.broadcast %get3A_23 : vector<1x128xf32> to vector<2000x128xf32>
    %add3A_25 = arith.addf %dot_general3A_20, %add3A_24 : vector<2000x128xf32>
    %swap3A = arith.constant 0 : index
    %swap3A_26 = arith.constant 0 : index
    %swap3A_27 = vector.load %arg7[%swap3A, %swap3A_26] : memref<2000x128xf32, #tpu.memory_space<vmem>>, vector<2000x128xf32>
    tpu.vector_store %arg7[%swap3A, %swap3A_26], %add3A_25 {strides = array<i32>} : memref<2000x128xf32, #tpu.memory_space<vmem>>, vector<2000x128xf32>,
    return
  }
  func.func @transform_0(%arg0: i32) -> (i32, i32) {
    %c0_i32 = arith.constant 0 : i32
    %c0_i32_0 = arith.constant 0 : i32
    return %arg0, %c0_i32 : i32, i32
  }
  func.func @transform_1(%arg0: i32) -> (i32, i32) {
    %c0_i32 = arith.constant 0 : i32
    %c0_i32_0 = arith.constant 0 : i32
    return %arg0, %c0_i32 : i32, i32
  }
  func.func @transform_2(%arg0: i32) -> (i32, i32) {
    %c0_i32 = arith.constant 0 : i32
    %c0_i32_0 = arith.constant 0 : i32
    %c0_i32_1 = arith.constant 0 : i32
    return %c0_i32, %c0_i32_0 : i32, i32
  }
  func.func @transform_3(%arg0: i32) -> (i32, i32) {
    %c0_i32 = arith.constant 0 : i32
    %c0_i32_0 = arith.constant 0 : i32
    %c0_i32_1 = arith.constant 0 : i32
    return %c0_i32, %c0_i32_0 : i32, i32
  }
  func.func @transform_4(%arg0: i32) -> (i32, i32) {
    %c0_i32 = arith.constant 0 : i32
    %c0_i32_0 = arith.constant 0 : i32
    %c0_i32_1 = arith.constant 0 : i32
    return %c0_i32, %c0_i32_0 : i32, i32
  }
  func.func @transform_5(%arg0: i32) -> (i32, i32) {
    %c0_i32 = arith.constant 0 : i32
    %c0_i32_0 = arith.constant 0 : i32
    %c0_i32_1 = arith.constant 0 : i32
    return %c0_i32, %c0_i32_0 : i32, i32
  }
  func.func @transform_6(%arg0: i32) -> (i32, i32) {
    %c0_i32 = arith.constant 0 : i32
    %c0_i32_0 = arith.constant 0 : i32
    return %arg0, %c0_i32 : i32, i32
  }
}

</mosaic_0001>

<sc_bundles>
// kernel: kernel.4.cloned.1.call-start
scs
__scs_entry_jumppad:
0x0: {  	(pc) =	sbr.rel $0x88, $3  }
0x1: {  	(tag) =	ssettag $0x0;
	lr =	simm.s32 $0x1  }
0x2: {  	[smem:$0x3F9A] =	sst lr;
	_ =	strace $0xD0000000  }
0x3: {  	_ = 	snop  }
0x4: {  	_ = 	snop  }
0x5: {  	_ = 	snop  }
0x6: {  	_ = 	snop  }
0x7: {  	_ = 	snop  }
__scs_overlays_trampoline_lowered:
0x8: {  	[smem:$0x3FA9] =	sst s0  }
0x9: {  	[smem:$0x3FAA] =	sst s1  }
0xa: {  	[smem:$0x3FAB] =	sst s2  }
0xb: {  	[smem:$0x3FAC] =	sst s3  }
0xc: {  	[smem:$0x3FAD] =	sst s4  }
0xd: {  	[smem:$0x3FAE] =	sst s5  }
0xe: {  	[smem:$0x3FAF] =	sst s6  }
0xf: {  	[smem:$0x3FB0] =	sst s7  }
0x10: {  	[smem:$0x3FB1] =	sst s8  }
0x11: {  	[smem:$0x3FB2] =	sst s9;
	s0 =	simm.s32 @!p0 $0x0  }
0x12: {  	s1 =	sld [smem:$0x3F98];
	s0 =	simm.s32 @p0 $0x1  }
0x13: {  	[smem:$0x3FB3] =	sst s0;
	s0 =	simm.s32 @!p1 $0x0  }
0x14: {  	s2 =	sld [smem:$0x3F97];
	s0 =	simm.s32 @p1 $0x1  }
0x15: {  	[smem:$0x3FB4] =	sst s0;
	s0 =	simm.s32 @!p2 $0x0  }
0x16: {  	s3 =	sld [smem:$0x3FDB];
	s0 =	simm.s32 @p2 $0x1  }
0x17: {  	s4 =	simm.s32 $0x1BF5;
	[smem:$0x3FB6] =	sst s0  }
0x18: {  	s0 =	sld [smem:$0x3F99];
	_ =	swait.ge [sflag:s4], $0x0  }
0x19: {  	s7 =	sld [smem:$0x3F9A]  }
0x1a: {  	s8 =	sadd.s32 $0xFFFFE003, lr  }
0x1b: {  	s9 =	sadd.s32 $0xFFFFFEF7, lr;
	s5 =	simm.s32 $0xFFFFFFFF;
	p2 =	slt.u32 s8, $0xFFFFF086  }
0x1c: {  	p1 =	slt.u32 s9, $0xF7A;
	s5 =	simm.s32 @!p2 $0x0  }
0x1d: {  	s5 =	simm.s32 @p1 $0x1;
	p0 =	seq.s32 s7, s2  }
0x1e: {  	s7 =	smul.u32 @!p0 $0xF7A, s2;
	p2 =	seq.s32 @!p0 s5, $0x0  }
0x1f: {  	s9 =	smul.u32 $0xF7A, s1;
	s8 =	simm.s32 @!p0 $0x1BF5;
	p2 =	por !p2, p0  }
0x20: {  	[sflag:s8] =	ssyncset.s32 @!p0 $0xFFFFF086;
	s6 =	sadd.s32 @!p0 s3, s7;
	s7 =	simm.s32 @!p0 $0x108  }
0x21: {  	s3 =	sadd.s32 s3, s9;
	s6 =	sadd.s32 @!p0 $0x88, s6;
	s7 =	simm.s32 @p2 $0x1082  }
0x22: {  	[simem:s7], [sflag:s8] =	dma.local @!p0 [hbm:s6], $0xF7A  }
0x23: {  	s9 =	sor.u32 $0xD0000000, s2;
	s6 =	simm.s32 $0x108;
	_ =	swait.ge @!p0 [sflag:s8], $0x0  }
0x24: {  	s3 =	sadd.s32 $0x88, s3;
	s6 =	simm.s32 @!p1 $0x1082;
	[sflag:s4] =	ssyncset.s32 $0xFFFFF086  }
0x25: {  	[simem:s6], [sflag:s4] =	dma.local [hbm:s3], $0xF7A  }
0x26: {  	[smem:$0x3F9A] =	sst s1;
	(tag) =	ssettag s2;
	_ =	strace s9  }
0x27: {  	s1 =	sld [smem:$0x3FAA]  }
0x28: {  	s2 =	sld [smem:$0x3FAB]  }
0x29: {  	s4 =	sld [smem:$0x3FAD]  }
0x2a: {  	p0 =	seq.s32 s5, $0x0;
	s5 =	sld [smem:$0x3FAE]  }
0x2b: {  	s6 =	sld [smem:$0x3FAF]  }
0x2c: {  	s7 =	sld [smem:$0x3FB0]  }
0x2d: {  	s3 =	simm.s32 $0x108;
	s8 =	sld [smem:$0x3FB1]  }
0x2e: {  	s3 =	simm.s32 @!p0 $0x1082;
	s9 =	sld [smem:$0x3FB2]  }
0x2f: {  	lr =	sadd.s32 s0, s3;
	s0 =	sld [smem:$0x3FA9]  }
0x30: {  	s3 =	sld [smem:$0x3FAC]  }
0x31: {  	[smem:$0x3FB5] =	sst s10  }
0x32: {  	s10 =	sld [smem:$0x3FB3];
	_ =	sdelay $0x3  }
0x33: {  	p0 =	seq.s32 s10, $0x1;
	s10 =	sld [smem:$0x3FB5];
	_ =	sdelay $0x3  }
0x34: {  	[smem:$0x3FB5] =	sst s10  }
0x35: {  	s10 =	sld [smem:$0x3FB4];
	_ =	sdelay $0x3  }
0x36: {  	p1 =	seq.s32 s10, $0x1;
	s10 =	sld [smem:$0x3FB5];
	_ =	sdelay $0x3  }
0x37: {  	[smem:$0x3FB5] =	sst s10  }
0x38: {  	s10 =	sld [smem:$0x3FB6]  }
0x39: {  	_ = 	snop;
	(pc) =	sbr.ind lr, $3  }
0x3a: {  	_ = 	snop  }
0x3b: {  	_ = 	snop  }
0x3c: {  	p2 =	seq.s32 s10, $0x1;
	s10 =	sld [smem:$0x3FB5]  }
0x3d: {  	_ =	shalt  }
0x3e: {  	_ =	shalt  }
0x3f: {  	_ =	shalt  }
0x40: {  	_ =	shalt  }
0x41: {  	_ =	shalt  }
0x42: {  	_ =	shalt  }
0x43: {  	_ =	shalt  }
0x44: {  	_ =	shalt  }
0x45: {  	_ =	shalt  }
0x46: {  	_ =	shalt  }
0x47: {  	_ =	shalt  }
0x48: {  	_ =	shalt  }
0x49: {  	_ =	shalt  }
0x4a: {  	_ =	shalt  }
0x4b: {  	_ =	shalt  }
0x4c: {  	_ =	shalt  }
0x4d: {  	_ =	shalt  }
0x4e: {  	_ =	shalt  }
0x4f: {  	_ =	shalt  }
0x50: {  	_ =	shalt  }
0x51: {  	_ =	shalt  }
0x52: {  	_ =	shalt  }
0x53: {  	_ =	shalt  }
0x54: {  	_ =	shalt  }
0x55: {  	_ =	shalt  }
0x56: {  	_ =	shalt  }
0x57: {  	_ =	shalt  }
0x58: {  	_ =	shalt  }
0x59: {  	_ =	shalt  }
0x5a: {  	_ =	shalt  }
0x5b: {  	_ =	shalt  }
0x5c: {  	_ =	shalt  }
0x5d: {  	_ =	shalt  }
0x5e: {  	_ =	shalt  }
0x5f: {  	_ =	shalt  }
0x60: {  	_ =	shalt  }
0x61: {  	_ =	shalt  }
0x62: {  	_ =	shalt  }
0x63: {  	_ =	shalt  }
0x64: {  	_ =	shalt  }
0x65: {  	_ =	shalt  }
0x66: {  	_ =	shalt  }
0x67: {  	_ =	shalt  }
0x68: {  	_ =	shalt  }
0x69: {  	_ =	shalt  }
0x6a: {  	_ =	shalt  }
0x6b: {  	_ =	shalt  }
0x6c: {  	_ =	shalt  }
0x6d: {  	_ =	shalt  }
0x6e: {  	_ =	shalt  }
0x6f: {  	_ =	shalt  }
0x70: {  	_ =	shalt  }
0x71: {  	_ =	shalt  }
0x72: {  	_ =	shalt  }
0x73: {  	_ =	shalt  }
0x74: {  	_ =	shalt  }
0x75: {  	_ =	shalt  }
0x76: {  	_ =	shalt  }
0x77: {  	_ =	shalt  }
0x78: {  	_ =	shalt  }
0x79: {  	_ =	shalt  }
0x7a: {  	_ =	shalt  }
0x7b: {  	_ =	shalt  }
0x7c: {  	_ =	shalt  }
0x7d: {  	_ =	shalt  }
0x7e: {  	_ =	shalt  }
0x7f: {  	_ =	shalt  }
0x80: {  	_ =	shalt  }
0x81: {  	_ =	shalt  }
0x82: {  	_ =	shalt  }
0x83: {  	_ =	shalt  }
0x84: {  	_ =	shalt  }
0x85: {  	_ =	shalt  }
0x86: {  	_ =	shalt  }
0x87: {  	_ =	shalt  }
.Lfunc_end0:
.L_simem_size_0:
called_computation_lowered:
.L_overlay_start_0:
0x88: {  	s2 =	sld [smem:$0x3FD9]  }
0x89: {  	s3 =	sld [smem:$0x3FFE];
	_ =	sdelay $0x1  }
0x8a: {  	s1 =	srdreg.scid  }
0x8b: {  	s0 =	sand.u32 $0x1, s1  }
0x8c: {  	s17 =	sshll.u32 s0, $0xA;
	s2 =	sadd.s32 s3, s2  }
0x8d: {  	s2 =	sadd.s32 s2, s17  }
0x8e: {  	[smem:$0x3FC1] =	sst s2  }
0x8f: {  	_ = 	snop  }
0x90: {  	s2 =	sld [smem:$0x3FC9]  }
0x91: {  	s18 =	sld [smem:$0x3FD0];
	(tm) =	ssettm $0x1  }
0x92: {  	s4 =	sld [smem:$0x3FFB];
	_ =	sdelay $0x3  }
0x93: {  	_ =	strace s4  }
0x94: {  	s4 =	sld [smem:$0x3FFC];
	_ =	sdelay $0x3  }
0x95: {  	_ =	strace s4  }
0x96: {  	s4 =	sld [smem:$0x3FFD];
	_ =	sdelay $0x3  }
0x97: {  	_ =	strace s4  }
0x98: {  	_ =	strace $0x8FFFFFFF  }
0x99: {  	s19 =	sld [smem:$0x3FDB];
	_ =	sdelay $0x1  }
0x9a: {  	s5 =	simm.s32 $_scs_section_size  }
0x9b: {  	s6 =	simm.s32 $_size__tile_overlayer_lowered;
	s7 =	simm.s32 $_tile_overlayer_lowered  }
0x9c: {  	s22 =	simm.s32 $0x1BFF;
	s21 =	sshll.u32 s7, $0x1;
	s4 =	sadd.s32 s5, s19  }
0x9d: {  	s8 =	simm.s32 $0x0;
	s20 =	sshll.u32 s6, $0x1;
	s6 =	sadd.s32 s21, s4  }
0x9e: {  	[timem:s8], [sflag:s22] =	dma.local [hbm:s6], s20  }
0x9f: {  	_ =	swait.ge [sflag:s22], s20  }
0xa0: {  	s5 =	ssub.s32 $0x0, s20;
	[sflag:s22] =	ssyncset.done $0x0  }
0xa1: {  	[sflag:s22] =	ssyncadd.s32 s5;
	_ =	sdelay $0x1  }
0xa2: {  	s23 =	simm.s32 $0x1B8B  }
0xa3: {  	_ =	swait.ge [sflag:s23], $0x1  }
0xa4: {  	[sflag:s23] =	ssyncset.done $0x0  }
0xa5: {  	s25 =	simm.s32 $0x1B8E;
	s24 =	sld [smem:$0x3FFE];
	[sflag:s23] =	ssyncadd.s32 $0xFFFFFFFF  }
0xa6: {  	s26 =	simm.s32 $execute0_lowered;
	[smem:$0x3FD2] =	sst s25  }
0xa7: {  	s6 =	sshll.u32 s26, $0x1;
	_ =	strace $0x80000046;
	[dreg:$0x1] =	wrdreg $0xFFFFFFFF  }
0xa8: {  	s28 =	simm.s32 $_size_execute0_lowered;
	s4 =	sadd.s32 s4, s6;
	[dreg:$0x0] =	wrdreg $0x0  }
0xa9: {  	s6 =	sshll.u32 s28, $0x1;
	[dreg:$0x2] =	wrdreg s4  }
0xaa: {  	[dreg:$0x3] =	wrdreg s6  }
0xab: {  	[dreg:$0x4] =	wrdreg $0xC0  }
0xac: {  	_ =	task [dreg:s8], $0x5FFFF  }
0xad: {  	[dreg:$0x1] =	wrdreg $0xFFFFFFFF  }
0xae: {  	[dreg:$0x0] =	wrdreg $0x60  }
0xaf: {  	[dreg:$0x2] =	wrdreg s2  }
0xb0: {  	[dreg:$0x3] =	wrdreg s18  }
0xb1: {  	[dreg:$0x4] =	wrdreg s24  }
0xb2: {  	[dreg:$0x5] =	wrdreg $0xA8000  }
0xb3: {  	[dreg:$0x6] =	wrdreg $0x9  }
0xb4: {  	_ =	task.clear_ibuf [dreg:s8], $0x7FFFF;
	_ =	strace $0x90000046  }
0xb5: {  	s29 =	simm.s32 $0x9;
	_ =	strace $0x80000048  }
0xb6: {  	_ =	swait.ge [sflag:s29], $0x1  }
0xb7: {  	[sflag:s29] =	ssyncadd.s32 $0xFFFFFFFF  }
0xb8: {  	_ =	strace $0x90000048  }
0xb9: {  	_ =	sfence  }
0xba: {  	s30 =	sld [smem:$0x0];
	_ =	sdelay $0x2  }
0xbb: {  	s31 =	sshll.u32 s1, $0xD;
	s1 =	sshrl.u32 s1, $0x2  }
0xbc: {  	s3 =	sand.u32 $0x4000, s31;
	s1 =	sadd.s32 s1, s30  }
0xbd: {  	s0 =	sor.u32 s3, s0;
	s1 =	sshll.u32 s1, $0x11  }
0xbe: {  	s0 =	sor.u32 s1, s0  }
0xbf: {  	s0 =	sadd.s32 $0x8F2B, s0  }
0xc0: {  	[sflag:s0] =	ssyncadd.remote.s32 $0x1  }
0xc1: {  	_ =	sfence.sel $0xFFFF  }
0xc2: {  	[dreg:$0x0] =	wrdreg $0xFFFFFFFF;
	(pc) =	sbr.abs _section_cstart, $3  }
0xc3: {  	[dreg:$0x1] =	wrdreg $0xFFFFFFFF  }
0xc4: {  	_ =	task.clear_ibuf [dreg:s8], $0x2FFFF;
	_ =	strace $0x9FFFFFFF  }
0xc5: {  	(tm) =	ssettm $0x7FFFFFFF  }
tec
execute0_lowered:
.L_overlay_start_1:
0x0: {  	(tag) =	ssettag $0x1  }
0x1: {  	s1 =	rddreg [dreg:$0x0]  }
0x2: {  	s15 =	rddreg [dreg:$0x1]  }
0x3: {  	s7 =	rddreg [dreg:$0x2]  }
0x4: {  	s0 =	srdreg.scid;
	s3 =	rddreg [dreg:$0x3]  }
0x5: {  	s4 =	simm.s32 $0x0;
	s20 =	simm.s32 $0x1;
	s21 =	simm.s32 $0x3  }
0x6: {  	s22 =	simm.s32 $0x1400;
	s23 =	simm.s32 $0x7D;
	s24 =	simm.s32 $0x80  }
0x7: {  	s25 =	simm.s32 $0x6800;
	s28 =	simm.s32 $0x2700;
	s5 =	sand.u32 $0x1, s0  }
0x8: {  	s29 =	simm.s32 $0x2780;
	s0 =	stileid.u32;
	s6 =	smul.u32 $0x140000, s5  }
0x9: {  	[smem:$0x7FF] =	sst s4;
	s16 =	sadd.s32 $0xE00, s7;
	s8 =	smul.u32 $0x14000, s0  }
0xa: {  	s26 =	smul.u32 $0x50000, s0;
	_ =	strace $0x80000047;
	s30 =	ssub.s32 $0x2, s5  }
0xb: {  	s31 =	sshll.u32 s0, $0x1;
	s9 =	sshrl.u32 s30, $0x1;
	s6 =	sadd.s32 s8, s6  }
0xc: {  	s8 =	sshrl.u32 s26, $0x2;
	s18 =	ssub.s32 s30, s9;
	s6 =	sshrl.u32 s6, $0x3  }
0xd: {  	s17 =	sadd.s32 s6, s7;
	s7 =	sor.u32 s5, s31;
	s5 =	sadd.s32 s8, s3  }
0xe: {  	s26 =	simm.s32 $0x2;
	s18 =	smax.u32 s18, $0x1;
	s6 =	sadd.s32 $0x2800, s5  }
0xf: {  	s12 =	smul.u32 $0x2800, s7;
	s7 =	sadd.s32 $0x5000, s5;
	s8 =	sadd.s32 $0x7800, s5  }
0x10: {  	s9 =	sadd.s32 $0xA000, s5;
	s10 =	sadd.s32 $0xC800, s5;
	s11 =	sadd.s32 $0xF000, s5  }
0x11: {  	s17 =	sadd.s32 $0xAE00, s17;
	s14 =	sshrl.u32 s12, $0x3;
	s12 =	sadd.s32 $0x11800, s5  }
0x12: {  	s13 =	sadd.s32 s15, s14;
	s19 =	sadd.s32 $0x280, s14;
	s14 =	sadd.s32 s16, s14  }
0x13: {  	v0 =	vimm.f32 $0.0e+00;
	s15 =	sadd.s32 s15, s19;
	s16 =	sadd.s32 s16, s19;
	s19 =	simm.s32 $0x2800  }
.LBB2_1:
0x14: {  	s30 =	simm.s32 $0x0;
	s31 =	simm.s32 $0x200  }
.LBB2_2:
0x15: {  	p0 =	sne.s32 s31, $0x9E00;
	[tilespmem:s30+$0x2870] =	vst v0  }
0x16: {  	[tilespmem:s30+$0x2800] =	vst v0  }
0x17: {  	[tilespmem:s30+$0x2810] =	vst v0  }
.Ltmp0:
0x18: {  	[tilespmem:s30+$0x2820] =	vst v0;
	(pc) =	sbr.rel @p0 .LBB2_2-.Ltmp0, $4  }
0x19: {  	[tilespmem:s30+$0x2830] =	vst v0  }
0x1a: {  	[tilespmem:s30+$0x2840] =	vst v0  }
0x1b: {  	[tilespmem:s30+$0x2850] =	vst v0  }
0x1c: {  	[tilespmem:s30+$0x2860] =	vst v0;
	s30 =	sshra.s32 s31, $0x2;
	s31 =	sadd.s32 $0x200, s31  }
0x1d: {  	[tilespmem:s30+$0x2870] =	vst v0  }
0x1e: {  	[tilespmem:s30+$0x2800] =	vst v0  }
0x1f: {  	[tilespmem:s30+$0x2810] =	vst v0  }
0x20: {  	[tilespmem:s30+$0x2820] =	vst v0  }
0x21: {  	[tilespmem:s30+$0x2830] =	vst v0  }
0x22: {  	[tilespmem:s30+$0x2840] =	vst v0  }
0x23: {  	[tilespmem:s30+$0x2850] =	vst v0  }
0x24: {  	[tilespmem:s30+$0x2860] =	vst v0  }
0x25: {  	[spmem:s5] =	stream.linear.scatter [tilespmem:s19], [sflag:$0x1], $0x2800, $0x38;
	[tilespmem:$0x1E800] =	vst v63  }
0x26: {  	_ = 	snop  }
0x27: {  	[spmem:s6] =	stream.linear.scatter [tilespmem:s19], [sflag:$0x1], $0x2800, $0x38;
	[tilespmem:$0x1E800] =	vst v63  }
0x28: {  	_ = 	snop  }
0x29: {  	[spmem:s7] =	stream.linear.scatter [tilespmem:s19], [sflag:$0x1], $0x2800, $0x38;
	[tilespmem:$0x1E800] =	vst v63  }
0x2a: {  	_ = 	snop  }
0x2b: {  	[spmem:s8] =	stream.linear.scatter [tilespmem:s19], [sflag:$0x1], $0x2800, $0x38;
	[tilespmem:$0x1E800] =	vst v63  }
0x2c: {  	_ = 	snop  }
0x2d: {  	[spmem:s9] =	stream.linear.scatter [tilespmem:s19], [sflag:$0x1], $0x2800, $0x38;
	[tilespmem:$0x1E800] =	vst v63  }
0x2e: {  	_ = 	snop  }
0x2f: {  	[spmem:s10] =	stream.linear.scatter [tilespmem:s19], [sflag:$0x1], $0x2800, $0x38;
	[tilespmem:$0x1E800] =	vst v63  }
0x30: {  	_ = 	snop  }
0x31: {  	[spmem:s11] =	stream.linear.scatter [tilespmem:s19], [sflag:$0x1], $0x2800, $0x38;
	[tilespmem:$0x1E800] =	vst v63  }
0x32: {  	_ = 	snop  }
0x33: {  	[spmem:s12] =	stream.linear.scatter [tilespmem:s19], [sflag:$0x1], $0x2800, $0x38;
	[tilespmem:$0x1E800] =	vst v63  }
0x34: {  	_ =	swait.ge [sflag:s20], $0x2800  }
0x35: {  	[sflag:s20] =	ssyncset.done $0x0  }
0x36: {  	[sflag:s20] =	ssyncadd.s32 $0xFFFFD800  }
0x37: {  	_ =	swait.ge [sflag:s20], $0x2800  }
0x38: {  	[sflag:s20] =	ssyncset.done $0x0  }
0x39: {  	[sflag:s20] =	ssyncadd.s32 $0xFFFFD800  }
0x3a: {  	_ =	swait.ge [sflag:s20], $0x2800  }
0x3b: {  	[sflag:s20] =	ssyncset.done $0x0  }
0x3c: {  	[sflag:s20] =	ssyncadd.s32 $0xFFFFD800  }
0x3d: {  	_ =	swait.ge [sflag:s20], $0x2800  }
0x3e: {  	[sflag:s20] =	ssyncset.done $0x0  }
0x3f: {  	[sflag:s20] =	ssyncadd.s32 $0xFFFFD800  }
0x40: {  	_ =	swait.ge [sflag:s20], $0x2800  }
0x41: {  	[sflag:s20] =	ssyncset.done $0x0  }
0x42: {  	[sflag:s20] =	ssyncadd.s32 $0xFFFFD800  }
0x43: {  	_ =	swait.ge [sflag:s20], $0x2800  }
0x44: {  	[sflag:s20] =	ssyncset.done $0x0  }
0x45: {  	[sflag:s20] =	ssyncadd.s32 $0xFFFFD800  }
0x46: {  	_ =	swait.ge [sflag:s20], $0x2800  }
0x47: {  	[sflag:s20] =	ssyncset.done $0x0  }
0x48: {  	[sflag:s20] =	ssyncadd.s32 $0xFFFFD800  }
0x49: {  	_ =	swait.ge [sflag:s20], $0x2800  }
0x4a: {  	[sflag:s20] =	ssyncset.done $0x0  }
0x4b: {  	[sflag:s20] =	ssyncadd.s32 $0xFFFFD800  }
0x4c: {  	s30 =	simm.s32 $0x0;
	[bflag:$0x0] =	sbarrier.arrive $0xFFFF  }
0x4d: {  	[tilespmem:s30], [sflag:$0x3] =	stream.linear.gather [hbm4b:s13+s30], $0x1400, $0x38;
	[tilespmem:$0x1E800] =	vst v63  }
0x4e: {  	_ =	swait.ge [sflag:s21], $0x1400  }
0x4f: {  	[sflag:s21] =	ssyncset.done $0x0  }
0x50: {  	[sflag:s21] =	ssyncadd.s32 $0xFFFFEC00  }
0x51: {  	[tilespmem:s22], [sflag:$0x3] =	stream.linear.gather [hbm4b:s14+s30], $0x1400, $0x38;
	[tilespmem:$0x1E800] =	vst v63  }
0x52: {  	_ =	swait.ge [sflag:s21], $0x1400  }
0x53: {  	[sflag:s21] =	ssyncset.done $0x0  }
0x54: {  	[sflag:s21] =	ssyncadd.s32 $0xFFFFEC00  }
0x55: {  	[tilespmem:s19], [sflag:$0x1] =	stream.indirect.gather [hbm4b:s1+s23], $0x80, s30, s23, $0xb8;
	[tilespmem:$0x1E800] =	vst v63  }
0x56: {  	_ = 	snop  }
0x57: {  	[tilespmem:s25], [sflag:$0x2] =	stream.indirect.gather [hbm4b:s1+s23], $0x80, s24, s23, $0xb8;
	[tilespmem:$0x1E800] =	vst v63  }
0x58: {  	_ =	swait.ge [sflag:s20], $0x3E80  }
0x59: {  	[sflag:s20] =	ssyncset.done $0x0  }
0x5a: {  	s30 =	simm.s32 $0x1400;
	[sflag:s20] =	ssyncadd.s32 $0xFFFFC180  }
0x5b: {  	[spmem:s3] =	stream.indirect.scatter.add.f32 [tilespmem:s19], [sflag:$0x3], $0x80, s30, s23, $0xb8;
	[tilespmem:$0x1E800] =	vst v63  }
0x5c: {  	_ =	swait.ge [sflag:s21], $0x3E80  }
0x5d: {  	[sflag:s21] =	ssyncset.done $0x0  }
0x5e: {  	s30 =	simm.s32 $0x100;
	[sflag:s21] =	ssyncadd.s32 $0xFFFFC180  }
0x5f: {  	[tilespmem:s19], [sflag:$0x1] =	stream.indirect.gather [hbm4b:s1+s23], $0x80, s30, s23, $0xb8;
	[tilespmem:$0x1E800] =	vst v63  }
0x60: {  	_ =	swait.ge [sflag:s26], $0x3E80  }
0x61: {  	[sflag:s26] =	ssyncset.done $0x0  }
0x62: {  	s30 =	simm.s32 $0x1480;
	[sflag:s26] =	ssyncadd.s32 $0xFFFFC180  }
0x63: {  	[spmem:s3] =	stream.indirect.scatter.add.f32 [tilespmem:s25], [sflag:$0x3], $0x80, s30, s23, $0xb8;
	[tilespmem:$0x1E800] =	vst v63  }
0x64: {  	_ =	swait.ge [sflag:s21], $0x3E80  }
0x65: {  	[sflag:s21] =	ssyncset.done $0x0  }
0x66: {  	s31 =	simm.s32 $0x180;
	s30 =	simm.s32 $0x400;
	[sflag:s21] =	ssyncadd.s32 $0xFFFFC180  }
.LBB2_4:
0x67: {  	[tilespmem:s25], [sflag:$0x2] =	stream.indirect.gather [hbm4b:s1+s23], $0x80, s31, s23, $0xb8;
	[tilespmem:$0x1E800] =	vst v63  }
0x68: {  	s31 =	smov.u32 s30  }
0x69: {  	p0 =	sne.s32 s30, $0x4800;
	s30 =	sadd.s32 $0x400, s30;
	_ =	swait.ge [sflag:s20], $0x3E80  }
0x6a: {  	s31 =	sshra.s32 s31, $0x2;
	[sflag:s20] =	ssyncset.done $0x0  }
0x6b: {  	s2 =	sadd.s32 $0x1400, s31;
	[sflag:s20] =	ssyncadd.s32 $0xFFFFC180  }
0x6c: {  	[spmem:s3] =	stream.indirect.scatter.add.f32 [tilespmem:s19], [sflag:$0x3], $0x80, s2, s23, $0xb8;
	[tilespmem:$0x1E800] =	vst v63  }
0x6d: {  	_ =	swait.ge [sflag:s21], $0x3E80  }
0x6e: {  	[sflag:s21] =	ssyncset.done $0x0  }
0x6f: {  	s2 =	sadd.s32 $0x100, s31;
	[sflag:s21] =	ssyncadd.s32 $0xFFFFC180  }
0x70: {  	[tilespmem:s19], [sflag:$0x1] =	stream.indirect.gather [hbm4b:s1+s23], $0x80, s2, s23, $0xb8;
	[tilespmem:$0x1E800] =	vst v63  }
0x71: {  	_ =	swait.ge [sflag:s26], $0x3E80  }
0x72: {  	[sflag:s26] =	ssyncset.done $0x0  }
.Ltmp1:
0x73: {  	s2 =	sadd.s32 $0x1480, s31;
	[sflag:s26] =	ssyncadd.s32 $0xFFFFC180;
	(pc) =	sbr.rel @p0 .LBB2_4-.Ltmp1, $4  }
0x74: {  	[spmem:s3] =	stream.indirect.scatter.add.f32 [tilespmem:s25], [sflag:$0x3], $0x80, s2, s23, $0xb8;
	[tilespmem:$0x1E800] =	vst v63  }
0x75: {  	_ =	swait.ge [sflag:s21], $0x3E80  }
0x76: {  	[sflag:s21] =	ssyncset.done $0x0  }
0x77: {  	s31 =	sadd.s32 $0x180, s31;
	[sflag:s21] =	ssyncadd.s32 $0xFFFFC180  }
0x78: {  	[tilespmem:s25], [sflag:$0x2] =	stream.indirect.gather [hbm4b:s1+s23], $0x80, s31, s23, $0xb8;
	[tilespmem:$0x1E800] =	vst v63  }
0x79: {  	_ =	swait.ge [sflag:s20], $0x3E80  }
0x7a: {  	[sflag:s20] =	ssyncset.done $0x0  }
0x7b: {  	[sflag:s20] =	ssyncadd.s32 $0xFFFFC180  }
0x7c: {  	[spmem:s3] =	stream.indirect.scatter.add.f32 [tilespmem:s19], [sflag:$0x3], $0x80, s28, s23, $0xb8;
	[tilespmem:$0x1E800] =	vst v63  }
0x7d: {  	_ =	swait.ge [sflag:s21], $0x3E80  }
0x7e: {  	[sflag:s21] =	ssyncset.done $0x0  }
0x7f: {  	[sflag:s21] =	ssyncadd.s32 $0xFFFFC180  }
0x80: {  	_ =	swait.ge [sflag:s26], $0x3E80  }
0x81: {  	[sflag:s26] =	ssyncset.done $0x0  }
0x82: {  	[sflag:s26] =	ssyncadd.s32 $0xFFFFC180  }
0x83: {  	[spmem:s3] =	stream.indirect.scatter.add.f32 [tilespmem:s25], [sflag:$0x3], $0x80, s29, s23, $0xb8;
	[tilespmem:$0x1E800] =	vst v63  }
0x84: {  	_ =	swait.ge [sflag:s21], $0x3E80  }
0x85: {  	[sflag:s21] =	ssyncset.done $0x0  }
0x86: {  	s2 =	simm.s32 $0x0;
	[sflag:s21] =	ssyncadd.s32 $0xFFFFC180  }
0x87: {  	[tilespmem:s2], [sflag:$0x3] =	stream.linear.gather [hbm4b:s15+s2], $0x1400, $0x38;
	[tilespmem:$0x1E800] =	vst v63  }
0x88: {  	_ =	swait.ge [sflag:s21], $0x1400  }
0x89: {  	[sflag:s21] =	ssyncset.done $0x0  }
0x8a: {  	[sflag:s21] =	ssyncadd.s32 $0xFFFFEC00  }
0x8b: {  	[tilespmem:s22], [sflag:$0x3] =	stream.linear.gather [hbm4b:s16+s2], $0x1400, $0x38;
	[tilespmem:$0x1E800] =	vst v63  }
0x8c: {  	_ =	swait.ge [sflag:s21], $0x1400  }
0x8d: {  	[sflag:s21] =	ssyncset.done $0x0  }
0x8e: {  	[sflag:s21] =	ssyncadd.s32 $0xFFFFEC00  }
0x8f: {  	[tilespmem:s19], [sflag:$0x1] =	stream.indirect.gather [hbm4b:s1+s23], $0x80, s2, s23, $0xb8;
	[tilespmem:$0x1E800] =	vst v63  }
0x90: {  	_ = 	snop  }
0x91: {  	[tilespmem:s25], [sflag:$0x2] =	stream.indirect.gather [hbm4b:s1+s23], $0x80, s24, s23, $0xb8;
	[tilespmem:$0x1E800] =	vst v63  }
0x92: {  	_ =	swait.ge [sflag:s20], $0x3E80  }
0x93: {  	[sflag:s20] =	ssyncset.done $0x0  }
0x94: {  	s2 =	simm.s32 $0x1400;
	[sflag:s20] =	ssyncadd.s32 $0xFFFFC180  }
0x95: {  	[spmem:s3] =	stream.indirect.scatter.add.f32 [tilespmem:s19], [sflag:$0x3], $0x80, s2, s23, $0xb8;
	[tilespmem:$0x1E800] =	vst v63  }
0x96: {  	_ =	swait.ge [sflag:s21], $0x3E80  }
0x97: {  	[sflag:s21] =	ssyncset.done $0x0  }
0x98: {  	s2 =	simm.s32 $0x100;
	[sflag:s21] =	ssyncadd.s32 $0xFFFFC180  }
0x99: {  	[tilespmem:s19], [sflag:$0x1] =	stream.indirect.gather [hbm4b:s1+s23], $0x80, s2, s23, $0xb8;
	[tilespmem:$0x1E800] =	vst v63  }
0x9a: {  	_ =	swait.ge [sflag:s26], $0x3E80  }
0x9b: {  	[sflag:s26] =	ssyncset.done $0x0  }
0x9c: {  	s2 =	simm.s32 $0x1480;
	[sflag:s26] =	ssyncadd.s32 $0xFFFFC180  }
0x9d: {  	[spmem:s3] =	stream.indirect.scatter.add.f32 [tilespmem:s25], [sflag:$0x3], $0x80, s2, s23, $0xb8;
	[tilespmem:$0x1E800] =	vst v63  }
0x9e: {  	_ =	swait.ge [sflag:s21], $0x3E80  }
0x9f: {  	[sflag:s21] =	ssyncset.done $0x0  }
0xa0: {  	s30 =	simm.s32 $0x400;
	s31 =	simm.s32 $0x180;
	[sflag:s21] =	ssyncadd.s32 $0xFFFFC180  }
.LBB2_6:
0xa1: {  	[tilespmem:s25], [sflag:$0x2] =	stream.indirect.gather [hbm4b:s1+s23], $0x80, s31, s23, $0xb8;
	[tilespmem:$0x1E800] =	vst v63  }
0xa2: {  	s2 =	smov.u32 s30  }
0xa3: {  	p0 =	sne.s32 s30, $0x4800;
	s30 =	sadd.s32 $0x400, s30;
	_ =	swait.ge [sflag:s20], $0x3E80  }
0xa4: {  	s2 =	sshra.s32 s2, $0x2;
	[sflag:s20] =	ssyncset.done $0x0  }
0xa5: {  	s31 =	sadd.s32 $0x1400, s2;
	[sflag:s20] =	ssyncadd.s32 $0xFFFFC180  }
0xa6: {  	[spmem:s3] =	stream.indirect.scatter.add.f32 [tilespmem:s19], [sflag:$0x3], $0x80, s31, s23, $0xb8;
	[tilespmem:$0x1E800] =	vst v63  }
0xa7: {  	_ =	swait.ge [sflag:s21], $0x3E80  }
0xa8: {  	[sflag:s21] =	ssyncset.done $0x0  }
0xa9: {  	s31 =	sadd.s32 $0x100, s2;
	[sflag:s21] =	ssyncadd.s32 $0xFFFFC180  }
0xaa: {  	[tilespmem:s19], [sflag:$0x1] =	stream.indirect.gather [hbm4b:s1+s23], $0x80, s31, s23, $0xb8;
	[tilespmem:$0x1E800] =	vst v63  }
0xab: {  	_ =	swait.ge [sflag:s26], $0x3E80  }
0xac: {  	[sflag:s26] =	ssyncset.done $0x0  }
.Ltmp2:
0xad: {  	s31 =	sadd.s32 $0x1480, s2;
	[sflag:s26] =	ssyncadd.s32 $0xFFFFC180;
	(pc) =	sbr.rel @p0 .LBB2_6-.Ltmp2, $4  }
0xae: {  	[spmem:s3] =	stream.indirect.scatter.add.f32 [tilespmem:s25], [sflag:$0x3], $0x80, s31, s23, $0xb8;
	[tilespmem:$0x1E800] =	vst v63  }
0xaf: {  	_ =	swait.ge [sflag:s21], $0x3E80  }
0xb0: {  	[sflag:s21] =	ssyncset.done $0x0  }
0xb1: {  	s31 =	sadd.s32 $0x180, s2;
	[sflag:s21] =	ssyncadd.s32 $0xFFFFC180  }
0xb2: {  	[tilespmem:s25], [sflag:$0x2] =	stream.indirect.gather [hbm4b:s1+s23], $0x80, s31, s23, $0xb8;
	[tilespmem:$0x1E800] =	vst v63  }
0xb3: {  	_ =	swait.ge [sflag:s20], $0x3E80  }
0xb4: {  	[sflag:s20] =	ssyncset.done $0x0  }
0xb5: {  	[sflag:s20] =	ssyncadd.s32 $0xFFFFC180  }
0xb6: {  	[spmem:s3] =	stream.indirect.scatter.add.f32 [tilespmem:s19], [sflag:$0x3], $0x80, s28, s23, $0xb8;
	[tilespmem:$0x1E800] =	vst v63  }
0xb7: {  	_ =	swait.ge [sflag:s21], $0x3E80  }
0xb8: {  	[sflag:s21] =	ssyncset.done $0x0  }
0xb9: {  	[sflag:s21] =	ssyncadd.s32 $0xFFFFC180  }
0xba: {  	_ =	swait.ge [sflag:s26], $0x3E80  }
0xbb: {  	[sflag:s26] =	ssyncset.done $0x0  }
0xbc: {  	[sflag:s26] =	ssyncadd.s32 $0xFFFFC180  }
0xbd: {  	[spmem:s3] =	stream.indirect.scatter.add.f32 [tilespmem:s25], [sflag:$0x3], $0x80, s29, s23, $0xb8;
	[tilespmem:$0x1E800] =	vst v63  }
0xbe: {  	_ =	swait.ge [sflag:s21], $0x3E80  }
0xbf: {  	s2 =	sshll.u32 s0, $0x6;
	s4 =	sadd.s32 $0x1, s4;
	[sflag:s21] =	ssyncset.done $0x0  }
0xc0: {  	s30 =	sshrl.u32 s5, $0x3;
	p0 =	sne.s32 s4, s18;
	[sflag:s21] =	ssyncadd.s32 $0xFFFFC180  }
.Ltmp3:
0xc1: {  	s2 =	sor.u32 $0x1C03, s2;
	[bflag:$0x0] =	sbarrier.arrive $0xFFFF;
	(pc) =	sbr.rel @p0 .LBB2_1-.Ltmp3, $4  }
0xc2: {  	[hbm:s17], [sflag:s2] =	dma.local [spmem:s30], $0x2800  }
0xc3: {  	_ =	swait.ge [sflag:s21], $0x2800  }
0xc4: {  	[sflag:s21] =	ssyncset.done $0x0  }
0xc5: {  	[sflag:s21] =	ssyncadd.s32 $0xFFFFD800  }
0xc6: {  	_ =	sfence.sel $0x180000  }
0xc7: {  	[bflag:$0x0] =	sbarrier.arrive $0xFFFF  }
0xc8: {  	_ =	strace $0x90000047  }
0xc9: {  	[bflag:$0x2] =	sbarrier.arrive $0xFFFF  }
0xca: {  	p0 =	sne.s32 s0, $0x0;
	s0 =	rddreg [dreg:$0x4]  }
0xcb: {  	s0 =	sadd.s32 @!p0 $0x100000, s0  }
0xcc: {  	[sflag:s0] =	ssyncadd.tile.s32 @!p0 $0x1;
	_ =	shalt  }
.Lfunc_end2:
_tile_overlayer_lowered:
.L_overlay_start_2:
0xcd: {  	(tag) =	ssettag $0x2  }
0xce: {  	s0 =	rddreg [dreg:$0x0];
	s2 =	stileid.u32  }
0xcf: {  	s1 =	rddreg [dreg:$0x1];
	p0 =	sne.s32 s2, $0x0  }
0xd0: {  	s3 =	rddreg [dreg:$0x2];
	[bflag:$0x3] =	sbarrier.arrive $0xFFFF;
	s2 =	simm.s32 @!p0 $0x1C03  }
0xd1: {  	[timem:s3], [sflag:s2] =	dma.local @!p0 [hbm:s0], s1  }
0xd2: {  	s0 =	simm.s32 @!p0 $0x3  }
0xd3: {  	_ =	swait.ge @!p0 [sflag:s0], s1  }
0xd4: {  	s1 =	ssub.s32 @!p0 $0x0, s1;
	[sflag:s0] =	ssyncset.done @!p0 $0x0  }
0xd5: {  	[sflag:s0] =	ssyncadd.s32 @!p0 s1  }
0xd6: {  	[bflag:$0x3] =	sbarrier.arrive $0xFFFF  }
0xd7: {  	_ =	shalt  }

</sc_bundles>
